<compile_context>
chip_gen: v7x
topology: tpu7x:2x2x1
jax: 0.10.2.dev20260603
libtpu: 0.0.44.dev20260713+nightly
codegen_flags: <defaults>
</compile_context>

<pallas_src>
import functools

import numpy as np
import jax
import jax.numpy as jnp
from jax import lax
from jax.experimental import pallas as pl
from jax.experimental.pallas import tpu as pltpu, tpu_sc as plsc

_B, _C = 8, 3
_HW = 512
_SLAB = 128
_LEVELS = (8, 16, 32)
_N8, _N16, _N32 = 4096, 1024, 256
_N = _N8 + _N16 + _N32
_K = 1000
_NV = _N // 16


def _np_prior(s):
    fh = fw = _HW // s
    k = np.arange(fh * fw)
    px = (k % fw).astype(np.float32) * s
    py = (k // fw).astype(np.float32) * s
    prior = np.zeros((8, fh * fw), np.float32)
    prior[1], prior[2] = px, py
    prior[3], prior[4] = px, py
    return prior


_PRIORS = {s: _np_prior(s) for s in _LEVELS}
_SIGN = np.array([0, -1, -1, 1, 1, 0, 0, 0], np.float32)
_CLSMASK = np.array([1, 0, 0, 0, 0, 0, 0, 0], np.float32)


def _np_perm(s):
    fw = _HW // s
    P = np.zeros((_HW, _HW), np.float32)
    w = np.arange(_HW)
    P[w, (w % s) * fw + w // s] = 1.0
    return P


def _tc_body(x_ref, w8_ref, w16_ref, w32_ref, q8_ref, q16_ref, q32_ref,
             pr8_ref, pr16_ref, pr32_ref, sign_ref, msk_ref,
             o8_ref, o16_ref, o32_ref):
    xf = x_ref[0].reshape(_C * _SLAB, _HW)
    for s, w_ref, q_ref, pr_ref, o_ref in (
        (8, w8_ref, q8_ref, pr8_ref, o8_ref),
        (16, w16_ref, q16_ref, pr16_ref, o16_ref),
        (32, w32_ref, q32_ref, pr32_ref, o32_ref),
    ):
        fh, fw = _SLAB // s, _HW // s
        d = _C * s * s
        x1 = jnp.dot(xf, q_ref[...], preferred_element_type=jnp.float32)
        x2 = (x1.reshape(_C, fh, s, s, fw)
              .transpose(1, 0, 2, 3, 4)
              .reshape(fh, d, fw))
        cols = []
        for i in range(fh):
            y = jax.lax.dot_general(
                w_ref[...], x2[i], (((0,), (0,)), ((), ())),
                preferred_element_type=jnp.float32)
            cols.append(y)
        y = jnp.concatenate(cols, axis=1)
        dec = (pr_ref[0] if s == 32 else pr_ref[...]) + sign_ref[...] * y
        out = jnp.where(msk_ref[...] != 0, jax.nn.sigmoid(y), dec)
        if s == 32:
            o_ref[0, 0] = out
        else:
            o_ref[0] = out


def _tc_stage(x, w8, w16, w32):
    pr = {s: jnp.asarray(_PRIORS[s]) for s in _LEVELS}
    nc0 = _HW // _SLAB
    pr[32] = pr[32].reshape(8, nc0, _N32 // nc0).transpose(1, 0, 2)
    sign = jnp.asarray(_SIGN)[:, None]
    msk = jnp.asarray(_CLSMASK)[:, None]
    full = lambda shape: pl.BlockSpec(shape, lambda b, c: (0,) * len(shape))
    nc = _HW // _SLAB
    return pl.pallas_call(
        _tc_body,
        grid=(_B, nc),
        in_specs=[
            pl.BlockSpec((1, _C, _SLAB, _HW), lambda b, c: (b, 0, c, 0)),
            full((192, 8)), full((768, 8)), full((3072, 8)),
            full((_HW, _HW)), full((_HW, _HW)), full((_HW, _HW)),
            pl.BlockSpec((8, _N8 // nc), lambda b, c: (0, c)),
            pl.BlockSpec((8, _N16 // nc), lambda b, c: (0, c)),
            pl.BlockSpec((1, 8, _N32 // nc), lambda b, c: (c, 0, 0)),
            full((8, 1)), full((8, 1)),
        ],
        out_specs=[
            pl.BlockSpec((1, 8, _N8 // nc), lambda b, c: (b, 0, c)),
            pl.BlockSpec((1, 8, _N16 // nc), lambda b, c: (b, 0, c)),
            pl.BlockSpec((1, 1, 8, _N32 // nc), lambda b, c: (b, c, 0, 0)),
        ],
        out_shape=[
            jax.ShapeDtypeStruct((_B, 8, _N8), jnp.float32),
            jax.ShapeDtypeStruct((_B, 8, _N16), jnp.float32),
            jax.ShapeDtypeStruct((_B, nc, 8, _N32 // nc), jnp.float32),
        ],
    )(x, w8, w16, w32,
      jnp.asarray(_np_perm(8)), jnp.asarray(_np_perm(16)),
      jnp.asarray(_np_perm(32)), pr[8], pr[16], pr[32], sign, msk)


def _sc_body(o8, o16, o32, topb, tops,
             y8, y16, y32, key, val, key2, val2, hist, offs, s16, outb, outs):
    wid = lax.axis_index("s") * 2 + lax.axis_index("c")

    @pl.when(wid < _B)
    def _():
        b = wid
        pltpu.sync_copy(o8.at[b], y8)
        pltpu.sync_copy(o16.at[b], y16)
        pltpu.sync_copy(o32.at[b], y32)
        lanes = lax.iota(jnp.int32, 16)
        zero16 = jnp.zeros((16,), jnp.int32)
        ones16 = jnp.ones((16,), jnp.int32)

        @pl.loop(0, _N8 // 16)
        def _build8(n):
            s = y8[0, pl.ds(n * 16, 16)]
            key[pl.ds(n * 16, 16)] = ~plsc.bitcast(s, jnp.int32)
            val[pl.ds(n * 16, 16)] = n * 16 + lanes

        @pl.loop(0, _N16 // 16)
        def _build16(n):
            s = y16[0, pl.ds(n * 16, 16)]
            key[pl.ds(_N8 + n * 16, 16)] = ~plsc.bitcast(s, jnp.int32)
            val[pl.ds(_N8 + n * 16, 16)] = _N8 + n * 16 + lanes

        @pl.loop(0, _N32 // 16)
        def _build32(n):
            s = y32[n // 4, 0, pl.ds((n % 4) * 16, 16)]
            key[pl.ds(_N8 + _N16 + n * 16, 16)] = ~plsc.bitcast(s, jnp.int32)
            val[pl.ds(_N8 + _N16 + n * 16, 16)] = _N8 + _N16 + n * 16 + lanes

        for p in range(4):
            src_k, src_v = (key, val) if p % 2 == 0 else (key2, val2)
            dst_k, dst_v = (key2, val2) if p % 2 == 0 else (key, val)
            shift = 8 * p

            @pl.loop(0, 256)
            def _zero(i):
                hist[pl.ds(i * 16, 16)] = zero16

            @pl.loop(0, _NV)
            def _hist(n):
                kk = plsc.load_gather(src_k, [lanes * _NV + n])
                d = (kk >> shift) & 255
                plsc.addupdate_scatter(hist, [d * 16 + lanes], ones16)

            def _off_body(d, carry):
                row = hist[pl.ds(d * 16, 16)]
                incl = row
                for sh in (1, 2, 4, 8):
                    s16[...] = incl
                    g = plsc.load_gather(s16, [jnp.maximum(lanes - sh, 0)])
                    incl = incl + jnp.where(lanes >= sh, g, 0)
                offs[pl.ds(d * 16, 16)] = incl - row + carry
                return carry + jnp.sum(row)

            lax.fori_loop(0, 256, _off_body, jnp.int32(0), unroll=False)

            @pl.loop(0, _NV)
            def _scat(n):
                sidx = lanes * _NV + n
                kk = plsc.load_gather(src_k, [sidx])
                vv = plsc.load_gather(src_v, [sidx])
                d16 = ((kk >> shift) & 255) * 16 + lanes
                pos = plsc.load_gather(offs, [d16])
                plsc.store_scatter(dst_k, [pos], kk)
                plsc.store_scatter(dst_v, [pos], vv)
                plsc.addupdate_scatter(offs, [d16], ones16)

        @pl.loop(0, 63)
        def _out(m):
            kk = key[pl.ds(m * 16, 16)]
            vv = val[pl.ds(m * 16, 16)]
            q = m * 16 + lanes
            plsc.store_scatter(outs, [q >> 7, q & 127],
                               plsc.bitcast(~kk, jnp.float32))
            is8 = vv < _N8
            is16 = vv < _N8 + _N16
            r8 = jnp.minimum(vv, _N8 - 1)
            r16 = jnp.clip(vv - _N8, 0, _N16 - 1)
            r32 = jnp.clip(vv - _N8 - _N16, 0, _N32 - 1)
            for c in range(4):
                col = jnp.full((16,), c + 1, jnp.int32)
                g8 = plsc.load_gather(y8, [col, r8])
                g16 = plsc.load_gather(y16, [col, r16])
                g32 = plsc.load_gather(y32, [r32 >> 6, col, r32 & 63])
                bc = jnp.where(is8, g8, jnp.where(is16, g16, g32))
                q4 = q * 4 + c
                plsc.store_scatter(outb, [q4 >> 7, q4 & 127], bc)

        pltpu.sync_copy(outb, topb.at[b])
        pltpu.sync_copy(outs, tops.at[b])


@functools.partial(
    pl.kernel,
    out_type=[jax.ShapeDtypeStruct((_B, 32, 128), jnp.float32),
              jax.ShapeDtypeStruct((_B, 8, 128), jnp.float32)],
    mesh=plsc.VectorSubcoreMesh(core_axis_name="c", subcore_axis_name="s"),
    compiler_params=pltpu.CompilerParams(needs_layout_passes=False),
    scratch_types=[
        pltpu.VMEM((8, _N8), jnp.float32),
        pltpu.VMEM((8, _N16), jnp.float32),
        pltpu.VMEM((4, 8, _N32 // 4), jnp.float32),
        pltpu.VMEM((_N,), jnp.int32),
        pltpu.VMEM((_N,), jnp.int32),
        pltpu.VMEM((_N,), jnp.int32),
        pltpu.VMEM((_N,), jnp.int32),
        pltpu.VMEM((4096,), jnp.int32),
        pltpu.VMEM((4096,), jnp.int32),
        pltpu.VMEM((16,), jnp.int32),
        pltpu.VMEM((32, 128), jnp.float32),
        pltpu.VMEM((8, 128), jnp.float32),
    ],
)
def _sc_stage(o8, o16, o32, topb, tops, *scratch):
    _sc_body(o8, o16, o32, topb, tops, *scratch)


def kernel(inputs, W_cls8, W_box8, W_cls16, W_box16, W_cls32, W_box32):
    B = inputs.shape[0]
    pad = lambda Wc, Wb: jnp.concatenate(
        [Wc, Wb, jnp.zeros((Wc.shape[0], 3), jnp.float32)], axis=1)
    o8, o16, o32 = _tc_stage(inputs, pad(W_cls8, W_box8),
                             pad(W_cls16, W_box16), pad(W_cls32, W_box32))
    topb, tops = _sc_stage(o8, o16, o32)
    topb = topb.reshape(B, 4096)[:, :4 * _K].reshape(B, _K, 4)
    tops = tops.reshape(B, 1024)[:, :_K, None]
    return topb, tops

# --- scband reference (transcript-rebuilt; emitter-appended) ---
"""Pipeline reference for scband-end2-end-74689481277987 (READ-ONLY COPY).

The authoritative reference and input builder live on the scoring server;
editing this copy changes nothing except your own understanding.
"""

import jax, jax.numpy as jnp
import numpy as np

STRIDES = (8, 16, 32)
KEEP_TOP_K = 1000
OFFSET = 0.0


def _patchify(x, s):
    # x: [B, C, H, W] -> [B, H//s, W//s, C*s*s]
    B, C, H, W = x.shape
    fh, fw = H // s, W // s
    x = x.reshape(B, C, fh, s, fw, s)
    x = x.transpose(0, 2, 4, 1, 3, 5).reshape(B, fh, fw, C * s * s)
    return x


def _make_priors(fh, fw, stride_w, stride_h):
    shift_x = (jnp.arange(fw, dtype=jnp.float32) + OFFSET) * stride_w
    shift_y = (jnp.arange(fh, dtype=jnp.float32) + OFFSET) * stride_h
    # torch meshgrid helper: xx = x.repeat(len(y)); yy = y repeated elementwise fw times
    xx = jnp.tile(shift_x, fh)
    yy = jnp.repeat(shift_y, fw)
    sw = jnp.full((fh * fw,), stride_w, dtype=jnp.float32)
    sh = jnp.full((fh * fw,), stride_h, dtype=jnp.float32)
    return jnp.stack([xx, yy, sw, sh], axis=-1)


def _forward(inputs, W_cls8, W_box8, W_cls16, W_box16, W_cls32, W_box32):
    Ws = ((W_cls8, W_box8), (W_cls16, W_box16), (W_cls32, W_box32))
    B = inputs.shape[0]
    flat_cls, flat_box, priors = [], [], []
    for s, (Wc, Wb) in zip(STRIDES, Ws):
        p = _patchify(inputs, s)                 # [B, fh, fw, 3*s*s]
        fh, fw = p.shape[1], p.shape[2]
        cls_score = p @ Wc                       # [B, fh, fw, 1]  (NHWC == permute(0,2,3,1))
        bbox_pred = p @ Wb                       # [B, fh, fw, 4]
        flat_cls.append(cls_score.reshape(B, -1, 1))
        flat_box.append(bbox_pred.reshape(B, -1, 4))
        priors.append(_make_priors(fh, fw, float(s), float(s)))
    scores = jax.nn.sigmoid(jnp.concatenate(flat_cls, axis=1))   # [B, N, 1]
    bbox = jnp.concatenate(flat_box, axis=1)                      # [B, N, 4]
    pri = jnp.concatenate(priors, axis=0)                         # [N, 4]
    tl_x = pri[:, 0] - bbox[..., 0]
    tl_y = pri[:, 1] - bbox[..., 1]
    br_x = pri[:, 0] + bbox[..., 2]
    br_y = pri[:, 1] + bbox[..., 3]
    bboxes = jnp.stack([tl_x, tl_y, br_x, br_y], axis=-1)         # [B, N, 4]
    sc = scores[..., 0]                                           # [B, N]
    topk_scores, topk_idx = jax.lax.top_k(sc, KEEP_TOP_K)         # [B, K]
    topk_boxes = jnp.take_along_axis(bboxes, topk_idx[..., None], axis=1)  # [B, K, 4]
    return topk_boxes, topk_scores[..., None]


def setup_inputs(seed: int = 0) -> dict:
    key = jax.random.key(seed)
    ks = jax.random.split(key, 8)
    B, H, W = 8, 512, 512
    inp = {"inputs": jax.random.normal(ks[0], (B, 3, H, W), dtype=jnp.float32)}
    for i, s in enumerate(STRIDES):
        d = 3 * s * s
        inp[f"W_cls{s}"] = jax.random.normal(ks[1 + 2 * i], (d, 1), dtype=jnp.float32) * (d ** -0.5)
        inp[f"W_box{s}"] = jax.random.normal(ks[2 + 2 * i], (d, 4), dtype=jnp.float32) * (d ** -0.5)
    return inp


def reference(inputs, W_cls8, W_box8, W_cls16, W_box16, W_cls32, W_box32):
    return _forward(inputs, W_cls8, W_box8, W_cls16, W_box16, W_cls32, W_box32)

if __name__ == "__main__":
    import jax
    _d = setup_inputs()
    print(jax.jit(kernel)(*tuple(_d.values())))

</pallas_src>

<mosaic_0001>
#map = affine_map<(d0, d1) -> (0, 0, 0)>
#map1 = affine_map<(d0, d1) -> (0, 0, 0, 0)>
module attributes {stable_mosaic.version = 14 : i64} {
  func.func @_sc_stage(%arg0: i32, %arg1: i32, %arg2: memref<8x8x4096xf32, #tpu.memory_space<hbm>>, %arg3: memref<8x8x1024xf32, #tpu.memory_space<hbm>>, %arg4: memref<8x4x8x64xf32, #tpu.memory_space<hbm>>, %arg5: memref<8x32x128xf32, #tpu.memory_space<hbm>>, %arg6: memref<8x8x128xf32, #tpu.memory_space<hbm>>, %arg7: memref<8x4096xf32, #tpu.memory_space<vmem>>, %arg8: memref<8x1024xf32, #tpu.memory_space<vmem>>, %arg9: memref<4x8x64xf32, #tpu.memory_space<vmem>>, %arg10: memref<5376xi32, #tpu.memory_space<vmem>>, %arg11: memref<5376xi32, #tpu.memory_space<vmem>>, %arg12: memref<5376xi32, #tpu.memory_space<vmem>>, %arg13: memref<5376xi32, #tpu.memory_space<vmem>>, %arg14: memref<4096xi32, #tpu.memory_space<vmem>>, %arg15: memref<4096xi32, #tpu.memory_space<vmem>>, %arg16: memref<16xi32, #tpu.memory_space<vmem>>, %arg17: memref<32x128xf32, #tpu.memory_space<vmem>>, %arg18: memref<8x128xf32, #tpu.memory_space<vmem>>) attributes {dimension_semantics = [#tpu.dimension_semantics<core_parallel>, #tpu.dimension_semantics<subcore_parallel>], iteration_bounds = array<i64: 2, 16>, scalar_prefetch = 0 : i64, scratch_operands = 12 : i64, tpu.core_type = #tpu.core_type<sc_vector_subcore>, window_params = [{transform_indices = #map}, {transform_indices = #map}, {transform_indices = #map1}, {transform_indices = #map}, {transform_indices = #map}]} {
    %mul3A = arith.constant 2 : i32
    %mul3A_0 = arith.muli %arg1, %mul3A : i32
    %add3A = arith.addi %mul3A_0, %arg0 : i32
    %lt3A = arith.constant 8 : i32
    %lt3A_1 = arith.cmpi slt, %add3A, %lt3A : i32
    %convert_element_type3A = arith.extui %lt3A_1 : i1 to i32
    %cond3A = arith.constant 0 : i32
    %cond3A_2 = arith.cmpi ne, %convert_element_type3A, %cond3A : i32
    scf.if %cond3A_2 {
      "tpu.region"() ({
        %run_scoped3A = tpu.sem_alloc : memref<!tpu.dma_semaphore, #tpu.memory_space<semaphore_mem>>
        %dma_start3A = arith.constant 0 : i32
        %dma_start3A_113 = arith.constant 0 : i32
        %dma_start3A_114 = tpu.memref_slice %arg2[%add3A, %dma_start3A, %dma_start3A_113] : memref<8x8x4096xf32, #tpu.memory_space<hbm>> -> memref<1x8x4096xf32, #tpu.memory_space<hbm>>
        %dma_start3A_115 = tpu.memref_squeeze %dma_start3A_114 : memref<1x8x4096xf32, #tpu.memory_space<hbm>> -> memref<8x4096xf32, #tpu.memory_space<hbm>>
        %dma_start3A_116 = arith.constant 0 : i32
        %dma_start3A_117 = arith.constant 0 : i32
        %dma_start3A_118 = tpu.memref_slice %arg2[%add3A, %dma_start3A_116, %dma_start3A_117] : memref<8x8x4096xf32, #tpu.memory_space<hbm>> -> memref<1x8x4096xf32, #tpu.memory_space<hbm>>
        %dma_start3A_119 = tpu.memref_squeeze %dma_start3A_118 : memref<1x8x4096xf32, #tpu.memory_space<hbm>> -> memref<8x4096xf32, #tpu.memory_space<hbm>>
        tpu.enqueue_dma source(%dma_start3A_119 : memref<8x4096xf32, #tpu.memory_space<hbm>>) target(%arg7 : memref<8x4096xf32, #tpu.memory_space<vmem>>) target_semaphore(%run_scoped3A : memref<!tpu.dma_semaphore, #tpu.memory_space<semaphore_mem>>)
        %dma_wait3A = arith.constant 0 : i32
        %dma_wait3A_120 = arith.constant 0 : i32
        %dma_wait3A_121 = tpu.memref_slice %arg2[%add3A, %dma_wait3A, %dma_wait3A_120] : memref<8x8x4096xf32, #tpu.memory_space<hbm>> -> memref<1x8x4096xf32, #tpu.memory_space<hbm>>
        %dma_wait3A_122 = tpu.memref_squeeze %dma_wait3A_121 : memref<1x8x4096xf32, #tpu.memory_space<hbm>> -> memref<8x4096xf32, #tpu.memory_space<hbm>>
        %dma_wait3A_123 = arith.constant 0 : i32
        %dma_wait3A_124 = arith.constant 0 : i32
        %dma_wait3A_125 = tpu.memref_slice %arg2[%add3A, %dma_wait3A_123, %dma_wait3A_124] : memref<8x8x4096xf32, #tpu.memory_space<hbm>> -> memref<1x8x4096xf32, #tpu.memory_space<hbm>>
        %dma_wait3A_126 = tpu.memref_squeeze %dma_wait3A_125 : memref<1x8x4096xf32, #tpu.memory_space<hbm>> -> memref<8x4096xf32, #tpu.memory_space<hbm>>
        tpu.wait_dma2 semaphore(%run_scoped3A : memref<!tpu.dma_semaphore, #tpu.memory_space<semaphore_mem>>) src(%dma_wait3A_126 : memref<8x4096xf32, #tpu.memory_space<hbm>>) dst(%arg7 : memref<8x4096xf32, #tpu.memory_space<vmem>>)
        tpu.yield
      }) : () -> ()
      "tpu.region"() ({
        %run_scoped3A = tpu.sem_alloc : memref<!tpu.dma_semaphore, #tpu.memory_space<semaphore_mem>>
        %dma_start3A = arith.constant 0 : i32
        %dma_start3A_113 = arith.constant 0 : i32
        %dma_start3A_114 = tpu.memref_slice %arg3[%add3A, %dma_start3A, %dma_start3A_113] : memref<8x8x1024xf32, #tpu.memory_space<hbm>> -> memref<1x8x1024xf32, #tpu.memory_space<hbm>>
        %dma_start3A_115 = tpu.memref_squeeze %dma_start3A_114 : memref<1x8x1024xf32, #tpu.memory_space<hbm>> -> memref<8x1024xf32, #tpu.memory_space<hbm>>
        %dma_start3A_116 = arith.constant 0 : i32
        %dma_start3A_117 = arith.constant 0 : i32
        %dma_start3A_118 = tpu.memref_slice %arg3[%add3A, %dma_start3A_116, %dma_start3A_117] : memref<8x8x1024xf32, #tpu.memory_space<hbm>> -> memref<1x8x1024xf32, #tpu.memory_space<hbm>>
        %dma_start3A_119 = tpu.memref_squeeze %dma_start3A_118 : memref<1x8x1024xf32, #tpu.memory_space<hbm>> -> memref<8x1024xf32, #tpu.memory_space<hbm>>
        tpu.enqueue_dma source(%dma_start3A_119 : memref<8x1024xf32, #tpu.memory_space<hbm>>) target(%arg8 : memref<8x1024xf32, #tpu.memory_space<vmem>>) target_semaphore(%run_scoped3A : memref<!tpu.dma_semaphore, #tpu.memory_space<semaphore_mem>>)
        %dma_wait3A = arith.constant 0 : i32
        %dma_wait3A_120 = arith.constant 0 : i32
        %dma_wait3A_121 = tpu.memref_slice %arg3[%add3A, %dma_wait3A, %dma_wait3A_120] : memref<8x8x1024xf32, #tpu.memory_space<hbm>> -> memref<1x8x1024xf32, #tpu.memory_space<hbm>>
        %dma_wait3A_122 = tpu.memref_squeeze %dma_wait3A_121 : memref<1x8x1024xf32, #tpu.memory_space<hbm>> -> memref<8x1024xf32, #tpu.memory_space<hbm>>
        %dma_wait3A_123 = arith.constant 0 : i32
        %dma_wait3A_124 = arith.constant 0 : i32
        %dma_wait3A_125 = tpu.memref_slice %arg3[%add3A, %dma_wait3A_123, %dma_wait3A_124] : memref<8x8x1024xf32, #tpu.memory_space<hbm>> -> memref<1x8x1024xf32, #tpu.memory_space<hbm>>
        %dma_wait3A_126 = tpu.memref_squeeze %dma_wait3A_125 : memref<1x8x1024xf32, #tpu.memory_space<hbm>> -> memref<8x1024xf32, #tpu.memory_space<hbm>>
        tpu.wait_dma2 semaphore(%run_scoped3A : memref<!tpu.dma_semaphore, #tpu.memory_space<semaphore_mem>>) src(%dma_wait3A_126 : memref<8x1024xf32, #tpu.memory_space<hbm>>) dst(%arg8 : memref<8x1024xf32, #tpu.memory_space<vmem>>)
        tpu.yield
      }) : () -> ()
      "tpu.region"() ({
        %run_scoped3A = tpu.sem_alloc : memref<!tpu.dma_semaphore, #tpu.memory_space<semaphore_mem>>
        %dma_start3A = arith.constant 0 : i32
        %dma_start3A_113 = arith.constant 0 : i32
        %dma_start3A_114 = arith.constant 0 : i32
        %dma_start3A_115 = tpu.memref_slice %arg4[%add3A, %dma_start3A, %dma_start3A_113, %dma_start3A_114] : memref<8x4x8x64xf32, #tpu.memory_space<hbm>> -> memref<1x4x8x64xf32, #tpu.memory_space<hbm>>
        %dma_start3A_116 = tpu.memref_squeeze %dma_start3A_115 : memref<1x4x8x64xf32, #tpu.memory_space<hbm>> -> memref<4x8x64xf32, #tpu.memory_space<hbm>>
        %dma_start3A_117 = arith.constant 0 : i32
        %dma_start3A_118 = arith.constant 0 : i32
        %dma_start3A_119 = arith.constant 0 : i32
        %dma_start3A_120 = tpu.memref_slice %arg4[%add3A, %dma_start3A_117, %dma_start3A_118, %dma_start3A_119] : memref<8x4x8x64xf32, #tpu.memory_space<hbm>> -> memref<1x4x8x64xf32, #tpu.memory_space<hbm>>
        %dma_start3A_121 = tpu.memref_squeeze %dma_start3A_120 : memref<1x4x8x64xf32, #tpu.memory_space<hbm>> -> memref<4x8x64xf32, #tpu.memory_space<hbm>>
        tpu.enqueue_dma source(%dma_start3A_121 : memref<4x8x64xf32, #tpu.memory_space<hbm>>) target(%arg9 : memref<4x8x64xf32, #tpu.memory_space<vmem>>) target_semaphore(%run_scoped3A : memref<!tpu.dma_semaphore, #tpu.memory_space<semaphore_mem>>)
        %dma_wait3A = arith.constant 0 : i32
        %dma_wait3A_122 = arith.constant 0 : i32
        %dma_wait3A_123 = arith.constant 0 : i32
        %dma_wait3A_124 = tpu.memref_slice %arg4[%add3A, %dma_wait3A, %dma_wait3A_122, %dma_wait3A_123] : memref<8x4x8x64xf32, #tpu.memory_space<hbm>> -> memref<1x4x8x64xf32, #tpu.memory_space<hbm>>
        %dma_wait3A_125 = tpu.memref_squeeze %dma_wait3A_124 : memref<1x4x8x64xf32, #tpu.memory_space<hbm>> -> memref<4x8x64xf32, #tpu.memory_space<hbm>>
        %dma_wait3A_126 = arith.constant 0 : i32
        %dma_wait3A_127 = arith.constant 0 : i32
        %dma_wait3A_128 = arith.constant 0 : i32
        %dma_wait3A_129 = tpu.memref_slice %arg4[%add3A, %dma_wait3A_126, %dma_wait3A_127, %dma_wait3A_128] : memref<8x4x8x64xf32, #tpu.memory_space<hbm>> -> memref<1x4x8x64xf32, #tpu.memory_space<hbm>>
        %dma_wait3A_130 = tpu.memref_squeeze %dma_wait3A_129 : memref<1x4x8x64xf32, #tpu.memory_space<hbm>> -> memref<4x8x64xf32, #tpu.memory_space<hbm>>
        tpu.wait_dma2 semaphore(%run_scoped3A : memref<!tpu.dma_semaphore, #tpu.memory_space<semaphore_mem>>) src(%dma_wait3A_130 : memref<4x8x64xf32, #tpu.memory_space<hbm>>) dst(%arg9 : memref<4x8x64xf32, #tpu.memory_space<vmem>>)
        tpu.yield
      }) : () -> ()
      %iota3A = tpu.iota {dimensions = array<i32: 0>} : vector<16xi32>
      %broadcast_in_dim3A = arith.constant 0 : i32
      %broadcast_in_dim3A_3 = vector.broadcast %broadcast_in_dim3A : i32 to vector<16xi32>
      %broadcast_in_dim3A_4 = arith.constant 1 : i32
      %broadcast_in_dim3A_5 = vector.broadcast %broadcast_in_dim3A_4 : i32 to vector<16xi32>
      %scan3A = arith.constant 0 : i32
      %scan3A_6 = arith.constant 256 : i32
      %scan3A_7 = arith.addi %scan3A, %scan3A_6 : i32
      %scan3A_8 = arith.constant 1 : i32
      scf.for %scan3A_113 = %scan3A to %scan3A_7 step %scan3A_8  : i32 {
        %mul3A_114 = arith.constant 1 : i32
        %mul3A_115 = arith.muli %scan3A_113, %mul3A_114 : i32
        %add3A_116 = arith.constant 0 : i32
        %add3A_117 = arith.addi %add3A_116, %mul3A_115 : i32
        %mul3A_118 = arith.constant 16 : i32
        %mul3A_119 = arith.muli %add3A_117, %mul3A_118 : i32
        %get3A = arith.constant 0 : i32
        %get3A_120 = arith.index_cast %get3A : i32 to index
        %get3A_121 = arith.index_cast %mul3A_119 : i32 to index
        %get3A_122 = tpu.vector_load %arg7[%get3A_120, %get3A_121] {strides = array<i32>} : memref<8x4096xf32, #tpu.memory_space<vmem>>, vector<16xf32>,
        %bitcast3A = vector.bitcast %get3A_122 : vector<16xf32> to vector<16xi32>
        %not3A = arith.constant dense<-1> : vector<16xi32>
        %not3A_123 = arith.xori %bitcast3A, %not3A : vector<16xi32>
        %mul3A_124 = arith.constant 16 : i32
        %mul3A_125 = arith.muli %add3A_117, %mul3A_124 : i32
        %swap3A = arith.index_cast %mul3A_125 : i32 to index
        %swap3A_126 = tpu.vector_load %arg10[%swap3A] {strides = array<i32>} : memref<5376xi32, #tpu.memory_space<vmem>>, vector<16xi32>,
        tpu.vector_store %arg10[%swap3A], %not3A_123 {strides = array<i32>} : memref<5376xi32, #tpu.memory_space<vmem>>, vector<16xi32>,
        %mul3A_127 = arith.constant 16 : i32
        %mul3A_128 = arith.muli %add3A_117, %mul3A_127 : i32
        %add3A_129 = vector.broadcast %mul3A_128 : i32 to vector<16xi32>
        %add3A_130 = arith.addi %add3A_129, %iota3A : vector<16xi32>
        %mul3A_131 = arith.constant 16 : i32
        %mul3A_132 = arith.muli %add3A_117, %mul3A_131 : i32
        %swap3A_133 = arith.index_cast %mul3A_132 : i32 to index
        %swap3A_134 = tpu.vector_load %arg11[%swap3A_133] {strides = array<i32>} : memref<5376xi32, #tpu.memory_space<vmem>>, vector<16xi32>,
        tpu.vector_store %arg11[%swap3A_133], %add3A_130 {strides = array<i32>} : memref<5376xi32, #tpu.memory_space<vmem>>, vector<16xi32>,
      }
      %scan3A_9 = arith.constant 256 : i32
      %scan3A_10 = arith.constant 0 : i32
      %scan3A_11 = arith.constant 64 : i32
      %scan3A_12 = arith.addi %scan3A_10, %scan3A_11 : i32
      %scan3A_13 = arith.constant 1 : i32
      scf.for %scan3A_113 = %scan3A_10 to %scan3A_12 step %scan3A_13  : i32 {
        %mul3A_114 = arith.constant 1 : i32
        %mul3A_115 = arith.muli %scan3A_113, %mul3A_114 : i32
        %add3A_116 = arith.constant 0 : i32
        %add3A_117 = arith.addi %add3A_116, %mul3A_115 : i32
        %mul3A_118 = arith.constant 16 : i32
        %mul3A_119 = arith.muli %add3A_117, %mul3A_118 : i32
        %get3A = arith.constant 0 : i32
        %get3A_120 = arith.index_cast %get3A : i32 to index
        %get3A_121 = arith.index_cast %mul3A_119 : i32 to index
        %get3A_122 = tpu.vector_load %arg8[%get3A_120, %get3A_121] {strides = array<i32>} : memref<8x1024xf32, #tpu.memory_space<vmem>>, vector<16xf32>,
        %bitcast3A = vector.bitcast %get3A_122 : vector<16xf32> to vector<16xi32>
        %not3A = arith.constant dense<-1> : vector<16xi32>
        %not3A_123 = arith.xori %bitcast3A, %not3A : vector<16xi32>
        %mul3A_124 = arith.constant 16 : i32
        %mul3A_125 = arith.muli %add3A_117, %mul3A_124 : i32
        %add3A_126 = arith.constant 4096 : i32
        %add3A_127 = arith.addi %add3A_126, %mul3A_125 : i32
        %swap3A = arith.index_cast %add3A_127 : i32 to index
        %swap3A_128 = tpu.vector_load %arg10[%swap3A] {strides = array<i32>} : memref<5376xi32, #tpu.memory_space<vmem>>, vector<16xi32>,
        tpu.vector_store %arg10[%swap3A], %not3A_123 {strides = array<i32>} : memref<5376xi32, #tpu.memory_space<vmem>>, vector<16xi32>,
        %mul3A_129 = arith.constant 16 : i32
        %mul3A_130 = arith.muli %add3A_117, %mul3A_129 : i32
        %add3A_131 = arith.constant 4096 : i32
        %add3A_132 = arith.addi %add3A_131, %mul3A_130 : i32
        %add3A_133 = vector.broadcast %add3A_132 : i32 to vector<16xi32>
        %add3A_134 = arith.addi %add3A_133, %iota3A : vector<16xi32>
        %mul3A_135 = arith.constant 16 : i32
        %mul3A_136 = arith.muli %add3A_117, %mul3A_135 : i32
        %add3A_137 = arith.constant 4096 : i32
        %add3A_138 = arith.addi %add3A_137, %mul3A_136 : i32
        %swap3A_139 = arith.index_cast %add3A_138 : i32 to index
        %swap3A_140 = tpu.vector_load %arg11[%swap3A_139] {strides = array<i32>} : memref<5376xi32, #tpu.memory_space<vmem>>, vector<16xi32>,
        tpu.vector_store %arg11[%swap3A_139], %add3A_134 {strides = array<i32>} : memref<5376xi32, #tpu.memory_space<vmem>>, vector<16xi32>,
      }
      %scan3A_14 = arith.constant 64 : i32
      %scan3A_15 = arith.constant 0 : i32
      %scan3A_16 = arith.constant 16 : i32
      %scan3A_17 = arith.addi %scan3A_15, %scan3A_16 : i32
      %scan3A_18 = arith.constant 1 : i32
      scf.for %scan3A_113 = %scan3A_15 to %scan3A_17 step %scan3A_18  : i32 {
        %mul3A_114 = arith.constant 1 : i32
        %mul3A_115 = arith.muli %scan3A_113, %mul3A_114 : i32
        %add3A_116 = arith.constant 0 : i32
        %add3A_117 = arith.addi %add3A_116, %mul3A_115 : i32
        %jit3A = arith.constant 4 : i32
        %div3A = arith.divsi %add3A_117, %jit3A : i32
        %sign3A = arith.constant 0 : i32
        %sign3A_118 = arith.cmpi sgt, %add3A_117, %sign3A : i32
        %sign3A_119 = arith.extui %sign3A_118 : i1 to i32
        %sign3A_120 = arith.constant 0 : i32
        %sign3A_121 = arith.cmpi slt, %add3A_117, %sign3A_120 : i32
        %sign3A_122 = arith.extui %sign3A_121 : i1 to i32
        %sign3A_123 = arith.subi %sign3A_119, %sign3A_122 : i32
        %sign3A_124 = arith.constant 0 : i32
        %sign3A_125 = arith.cmpi sgt, %jit3A, %sign3A_124 : i32
        %sign3A_126 = arith.extui %sign3A_125 : i1 to i32
        %sign3A_127 = arith.constant 0 : i32
        %sign3A_128 = arith.cmpi slt, %jit3A, %sign3A_127 : i32
        %sign3A_129 = arith.extui %sign3A_128 : i1 to i32
        %sign3A_130 = arith.subi %sign3A_126, %sign3A_129 : i32
        %ne3A = arith.cmpi ne, %sign3A_123, %sign3A_130 : i32
        %rem3A = arith.remsi %add3A_117, %jit3A : i32
        %ne3A_131 = arith.constant 0 : i32
        %ne3A_132 = arith.cmpi ne, %rem3A, %ne3A_131 : i32
        %and3A = arith.andi %ne3A, %ne3A_132 : i1
        %sub3A = arith.constant 1 : i32
        %sub3A_133 = arith.subi %div3A, %sub3A : i32
        %select_n3A = arith.select %and3A, %sub3A_133, %div3A : i32
        %jit3A_134 = arith.constant 4 : i32
        %eq3A = arith.constant 0 : i32
        %eq3A_135 = arith.cmpi eq, %jit3A_134, %eq3A : i32
        %jit3A_136 = arith.constant 1 : i32
        %select_n3A_137 = arith.select %eq3A_135, %jit3A_136, %jit3A_134 : i32
        %rem3A_138 = arith.remsi %add3A_117, %select_n3A_137 : i32
        %ne3A_139 = arith.constant 0 : i32
        %ne3A_140 = arith.cmpi ne, %rem3A_138, %ne3A_139 : i32
        %lt3A_141 = arith.constant 0 : i32
        %lt3A_142 = arith.cmpi slt, %rem3A_138, %lt3A_141 : i32
        %lt3A_143 = arith.constant 0 : i32
        %lt3A_144 = arith.cmpi slt, %select_n3A_137, %lt3A_143 : i32
        %ne3A_145 = arith.xori %lt3A_142, %lt3A_144 : i1
        %and3A_146 = arith.andi %ne3A_145, %ne3A_140 : i1
        %add3A_147 = arith.addi %rem3A_138, %select_n3A_137 : i32
        %select_n3A_148 = arith.select %and3A_146, %add3A_147, %rem3A_138 : i32
        %mul3A_149 = arith.constant 16 : i32
        %mul3A_150 = arith.muli %select_n3A_148, %mul3A_149 : i32
        %get3A = arith.constant 0 : i32
        %get3A_151 = arith.index_cast %select_n3A : i32 to index
        %get3A_152 = arith.index_cast %get3A : i32 to index
        %get3A_153 = arith.index_cast %mul3A_150 : i32 to index
        %get3A_154 = tpu.vector_load %arg9[%get3A_151, %get3A_152, %get3A_153] {strides = array<i32>} : memref<4x8x64xf32, #tpu.memory_space<vmem>>, vector<16xf32>,
        %bitcast3A = vector.bitcast %get3A_154 : vector<16xf32> to vector<16xi32>
        %not3A = arith.constant dense<-1> : vector<16xi32>
        %not3A_155 = arith.xori %bitcast3A, %not3A : vector<16xi32>
        %mul3A_156 = arith.constant 16 : i32
        %mul3A_157 = arith.muli %add3A_117, %mul3A_156 : i32
        %add3A_158 = arith.constant 5120 : i32
        %add3A_159 = arith.addi %add3A_158, %mul3A_157 : i32
        %swap3A = arith.index_cast %add3A_159 : i32 to index
        %swap3A_160 = tpu.vector_load %arg10[%swap3A] {strides = array<i32>} : memref<5376xi32, #tpu.memory_space<vmem>>, vector<16xi32>,
        tpu.vector_store %arg10[%swap3A], %not3A_155 {strides = array<i32>} : memref<5376xi32, #tpu.memory_space<vmem>>, vector<16xi32>,
        %mul3A_161 = arith.constant 16 : i32
        %mul3A_162 = arith.muli %add3A_117, %mul3A_161 : i32
        %add3A_163 = arith.constant 5120 : i32
        %add3A_164 = arith.addi %add3A_163, %mul3A_162 : i32
        %add3A_165 = vector.broadcast %add3A_164 : i32 to vector<16xi32>
        %add3A_166 = arith.addi %add3A_165, %iota3A : vector<16xi32>
        %mul3A_167 = arith.constant 16 : i32
        %mul3A_168 = arith.muli %add3A_117, %mul3A_167 : i32
        %add3A_169 = arith.constant 5120 : i32
        %add3A_170 = arith.addi %add3A_169, %mul3A_168 : i32
        %swap3A_171 = arith.index_cast %add3A_170 : i32 to index
        %swap3A_172 = tpu.vector_load %arg11[%swap3A_171] {strides = array<i32>} : memref<5376xi32, #tpu.memory_space<vmem>>, vector<16xi32>,
        tpu.vector_store %arg11[%swap3A_171], %add3A_166 {strides = array<i32>} : memref<5376xi32, #tpu.memory_space<vmem>>, vector<16xi32>,
      }
      %scan3A_19 = arith.constant 16 : i32
      %scan3A_20 = arith.constant 0 : i32
      %scan3A_21 = arith.constant 256 : i32
      %scan3A_22 = arith.addi %scan3A_20, %scan3A_21 : i32
      %scan3A_23 = arith.constant 1 : i32
      scf.for %scan3A_113 = %scan3A_20 to %scan3A_22 step %scan3A_23  : i32 {
        %mul3A_114 = arith.constant 1 : i32
        %mul3A_115 = arith.muli %scan3A_113, %mul3A_114 : i32
        %add3A_116 = arith.constant 0 : i32
        %add3A_117 = arith.addi %add3A_116, %mul3A_115 : i32
        %mul3A_118 = arith.constant 16 : i32
        %mul3A_119 = arith.muli %add3A_117, %mul3A_118 : i32
        %swap3A = arith.index_cast %mul3A_119 : i32 to index
        %swap3A_120 = tpu.vector_load %arg14[%swap3A] {strides = array<i32>} : memref<4096xi32, #tpu.memory_space<vmem>>, vector<16xi32>,
        tpu.vector_store %arg14[%swap3A], %broadcast_in_dim3A_3 {strides = array<i32>} : memref<4096xi32, #tpu.memory_space<vmem>>, vector<16xi32>,
      }
      %scan3A_24 = arith.constant 256 : i32
      %scan3A_25 = arith.constant 0 : i32
      %scan3A_26 = arith.constant 336 : i32
      %scan3A_27 = arith.addi %scan3A_25, %scan3A_26 : i32
      %scan3A_28 = arith.constant 1 : i32
      scf.for %scan3A_113 = %scan3A_25 to %scan3A_27 step %scan3A_28  : i32 {
        %mul3A_114 = arith.constant 1 : i32
        %mul3A_115 = arith.muli %scan3A_113, %mul3A_114 : i32
        %add3A_116 = arith.constant 0 : i32
        %add3A_117 = arith.addi %add3A_116, %mul3A_115 : i32
        %mul3A_118 = arith.constant 336 : i32
        %mul3A_119 = vector.broadcast %mul3A_118 : i32 to vector<16xi32>
        %mul3A_120 = arith.muli %iota3A, %mul3A_119 : vector<16xi32>
        %add3A_121 = vector.broadcast %add3A_117 : i32 to vector<16xi32>
        %add3A_122 = arith.addi %mul3A_120, %add3A_121 : vector<16xi32>
        %gather3A = tpu.vector_load_idx %arg10[%add3A_122] : memref<5376xi32, #tpu.memory_space<vmem>>[vector<16xi32>], vector<16xi32>,
        %shift_right_arithmetic3A = arith.constant 0 : i32
        %shift_right_arithmetic3A_123 = vector.broadcast %shift_right_arithmetic3A : i32 to vector<16xi32>
        %shift_right_arithmetic3A_124 = arith.shrsi %gather3A, %shift_right_arithmetic3A_123 : vector<16xi32>
        %and3A = arith.constant 255 : i32
        %and3A_125 = vector.broadcast %and3A : i32 to vector<16xi32>
        %and3A_126 = arith.andi %shift_right_arithmetic3A_124, %and3A_125 : vector<16xi32>
        %mul3A_127 = arith.constant 16 : i32
        %mul3A_128 = vector.broadcast %mul3A_127 : i32 to vector<16xi32>
        %mul3A_129 = arith.muli %and3A_126, %mul3A_128 : vector<16xi32>
        %add3A_130 = arith.addi %mul3A_129, %iota3A : vector<16xi32>
        tpu.vector_store_idx %arg14[%add3A_130], %broadcast_in_dim3A_5 {add = true} : memref<4096xi32, #tpu.memory_space<vmem>>[vector<16xi32>], vector<16xi32>,
      }
      %scan3A_29 = arith.constant 336 : i32
      %scan3A_30 = arith.constant 0 : i32
      %scan3A_31 = arith.constant 0 : i32
      %scan3A_32 = arith.constant 256 : i32
      %scan3A_33 = arith.addi %scan3A_31, %scan3A_32 : i32
      %scan3A_34 = arith.constant 1 : i32
      %scan3A_35 = scf.for %scan3A_113 = %scan3A_31 to %scan3A_33 step %scan3A_34 iter_args(%scan3A_114 = %scan3A_30) -> (i32)  : i32 {
        %mul3A_115 = arith.constant 16 : i32
        %mul3A_116 = arith.muli %scan3A_113, %mul3A_115 : i32
        %get3A = arith.index_cast %mul3A_116 : i32 to index
        %get3A_117 = tpu.vector_load %arg14[%get3A] {strides = array<i32>} : memref<4096xi32, #tpu.memory_space<vmem>>, vector<16xi32>,
        %swap3A = arith.constant 0 : index
        %swap3A_118 = tpu.vector_load %arg16[%swap3A] {strides = array<i32>} : memref<16xi32, #tpu.memory_space<vmem>>, vector<16xi32>,
        tpu.vector_store %arg16[%swap3A], %get3A_117 {strides = array<i32>} : memref<16xi32, #tpu.memory_space<vmem>>, vector<16xi32>,
        %sub3A = arith.constant 1 : i32
        %sub3A_119 = vector.broadcast %sub3A : i32 to vector<16xi32>
        %sub3A_120 = arith.subi %iota3A, %sub3A_119 : vector<16xi32>
        %max3A = arith.constant 0 : i32
        %max3A_121 = vector.broadcast %max3A : i32 to vector<16xi32>
        %max3A_122 = arith.maxsi %sub3A_120, %max3A_121 : vector<16xi32>
        %gather3A = tpu.vector_load_idx %arg16[%max3A_122] : memref<16xi32, #tpu.memory_space<vmem>>[vector<16xi32>], vector<16xi32>,
        %ge3A = arith.constant 1 : i32
        %ge3A_123 = vector.broadcast %ge3A : i32 to vector<16xi32>
        %ge3A_124 = arith.cmpi sge, %iota3A, %ge3A_123 : vector<16xi32>
        %jit3A = arith.constant 0 : i32
        %broadcast_in_dim3A_125 = vector.broadcast %jit3A : i32 to vector<16xi32>
        %select_n3A = arith.select %ge3A_124, %gather3A, %broadcast_in_dim3A_125 : vector<16xi1>, vector<16xi32>
        %add3A_126 = arith.addi %get3A_117, %select_n3A : vector<16xi32>
        %swap3A_127 = arith.constant 0 : index
        %swap3A_128 = tpu.vector_load %arg16[%swap3A_127] {strides = array<i32>} : memref<16xi32, #tpu.memory_space<vmem>>, vector<16xi32>,
        tpu.vector_store %arg16[%swap3A_127], %add3A_126 {strides = array<i32>} : memref<16xi32, #tpu.memory_space<vmem>>, vector<16xi32>,
        %sub3A_129 = arith.constant 2 : i32
        %sub3A_130 = vector.broadcast %sub3A_129 : i32 to vector<16xi32>
        %sub3A_131 = arith.subi %iota3A, %sub3A_130 : vector<16xi32>
        %max3A_132 = arith.constant 0 : i32
        %max3A_133 = vector.broadcast %max3A_132 : i32 to vector<16xi32>
        %max3A_134 = arith.maxsi %sub3A_131, %max3A_133 : vector<16xi32>
        %gather3A_135 = tpu.vector_load_idx %arg16[%max3A_134] : memref<16xi32, #tpu.memory_space<vmem>>[vector<16xi32>], vector<16xi32>,
        %ge3A_136 = arith.constant 2 : i32
        %ge3A_137 = vector.broadcast %ge3A_136 : i32 to vector<16xi32>
        %ge3A_138 = arith.cmpi sge, %iota3A, %ge3A_137 : vector<16xi32>
        %jit3A_139 = arith.constant 0 : i32
        %broadcast_in_dim3A_140 = vector.broadcast %jit3A_139 : i32 to vector<16xi32>
        %select_n3A_141 = arith.select %ge3A_138, %gather3A_135, %broadcast_in_dim3A_140 : vector<16xi1>, vector<16xi32>
        %add3A_142 = arith.addi %add3A_126, %select_n3A_141 : vector<16xi32>
        %swap3A_143 = arith.constant 0 : index
        %swap3A_144 = tpu.vector_load %arg16[%swap3A_143] {strides = array<i32>} : memref<16xi32, #tpu.memory_space<vmem>>, vector<16xi32>,
        tpu.vector_store %arg16[%swap3A_143], %add3A_142 {strides = array<i32>} : memref<16xi32, #tpu.memory_space<vmem>>, vector<16xi32>,
        %sub3A_145 = arith.constant 4 : i32
        %sub3A_146 = vector.broadcast %sub3A_145 : i32 to vector<16xi32>
        %sub3A_147 = arith.subi %iota3A, %sub3A_146 : vector<16xi32>
        %max3A_148 = arith.constant 0 : i32
        %max3A_149 = vector.broadcast %max3A_148 : i32 to vector<16xi32>
        %max3A_150 = arith.maxsi %sub3A_147, %max3A_149 : vector<16xi32>
        %gather3A_151 = tpu.vector_load_idx %arg16[%max3A_150] : memref<16xi32, #tpu.memory_space<vmem>>[vector<16xi32>], vector<16xi32>,
        %ge3A_152 = arith.constant 4 : i32
        %ge3A_153 = vector.broadcast %ge3A_152 : i32 to vector<16xi32>
        %ge3A_154 = arith.cmpi sge, %iota3A, %ge3A_153 : vector<16xi32>
        %jit3A_155 = arith.constant 0 : i32
        %broadcast_in_dim3A_156 = vector.broadcast %jit3A_155 : i32 to vector<16xi32>
        %select_n3A_157 = arith.select %ge3A_154, %gather3A_151, %broadcast_in_dim3A_156 : vector<16xi1>, vector<16xi32>
        %add3A_158 = arith.addi %add3A_142, %select_n3A_157 : vector<16xi32>
        %swap3A_159 = arith.constant 0 : index
        %swap3A_160 = tpu.vector_load %arg16[%swap3A_159] {strides = array<i32>} : memref<16xi32, #tpu.memory_space<vmem>>, vector<16xi32>,
        tpu.vector_store %arg16[%swap3A_159], %add3A_158 {strides = array<i32>} : memref<16xi32, #tpu.memory_space<vmem>>, vector<16xi32>,
        %sub3A_161 = arith.constant 8 : i32
        %sub3A_162 = vector.broadcast %sub3A_161 : i32 to vector<16xi32>
        %sub3A_163 = arith.subi %iota3A, %sub3A_162 : vector<16xi32>
        %max3A_164 = arith.constant 0 : i32
        %max3A_165 = vector.broadcast %max3A_164 : i32 to vector<16xi32>
        %max3A_166 = arith.maxsi %sub3A_163, %max3A_165 : vector<16xi32>
        %gather3A_167 = tpu.vector_load_idx %arg16[%max3A_166] : memref<16xi32, #tpu.memory_space<vmem>>[vector<16xi32>], vector<16xi32>,
        %ge3A_168 = arith.constant 8 : i32
        %ge3A_169 = vector.broadcast %ge3A_168 : i32 to vector<16xi32>
        %ge3A_170 = arith.cmpi sge, %iota3A, %ge3A_169 : vector<16xi32>
        %jit3A_171 = arith.constant 0 : i32
        %broadcast_in_dim3A_172 = vector.broadcast %jit3A_171 : i32 to vector<16xi32>
        %select_n3A_173 = arith.select %ge3A_170, %gather3A_167, %broadcast_in_dim3A_172 : vector<16xi1>, vector<16xi32>
        %add3A_174 = arith.addi %add3A_158, %select_n3A_173 : vector<16xi32>
        %sub3A_175 = arith.subi %add3A_174, %get3A_117 : vector<16xi32>
        %add3A_176 = vector.broadcast %scan3A_114 : i32 to vector<16xi32>
        %add3A_177 = arith.addi %sub3A_175, %add3A_176 : vector<16xi32>
        %mul3A_178 = arith.constant 16 : i32
        %mul3A_179 = arith.muli %scan3A_113, %mul3A_178 : i32
        %swap3A_180 = arith.index_cast %mul3A_179 : i32 to index
        %swap3A_181 = tpu.vector_load %arg15[%swap3A_180] {strides = array<i32>} : memref<4096xi32, #tpu.memory_space<vmem>>, vector<16xi32>,
        tpu.vector_store %arg15[%swap3A_180], %add3A_177 {strides = array<i32>} : memref<4096xi32, #tpu.memory_space<vmem>>, vector<16xi32>,
        %reduce_sum3A = arith.constant true
        %reduce_sum3A_182 = vector.broadcast %reduce_sum3A : i1 to vector<16xi1>
        %reduce_sum3A_183 = tpu.scan <sum>, %get3A_117 masked %reduce_sum3A_182 : vector<16xi32>, vector<16xi1> -> vector<16xi32>
        %reduce_sum3A_184 = vector.extract %reduce_sum3A_183[15] : i32 from vector<16xi32>
        %add3A_185 = arith.addi %scan3A_114, %reduce_sum3A_184 : i32
        scf.yield %add3A_185 : i32
      }
      %scan3A_36 = arith.constant 256 : i32
      %scan3A_37 = arith.constant 0 : i32
      %scan3A_38 = arith.constant 336 : i32
      %scan3A_39 = arith.addi %scan3A_37, %scan3A_38 : i32
      %scan3A_40 = arith.constant 1 : i32
      scf.for %scan3A_113 = %scan3A_37 to %scan3A_39 step %scan3A_40  : i32 {
        %mul3A_114 = arith.constant 1 : i32
        %mul3A_115 = arith.muli %scan3A_113, %mul3A_114 : i32
        %add3A_116 = arith.constant 0 : i32
        %add3A_117 = arith.addi %add3A_116, %mul3A_115 : i32
        %mul3A_118 = arith.constant 336 : i32
        %mul3A_119 = vector.broadcast %mul3A_118 : i32 to vector<16xi32>
        %mul3A_120 = arith.muli %iota3A, %mul3A_119 : vector<16xi32>
        %add3A_121 = vector.broadcast %add3A_117 : i32 to vector<16xi32>
        %add3A_122 = arith.addi %mul3A_120, %add3A_121 : vector<16xi32>
        %gather3A = tpu.vector_load_idx %arg10[%add3A_122] : memref<5376xi32, #tpu.memory_space<vmem>>[vector<16xi32>], vector<16xi32>,
        %gather3A_123 = tpu.vector_load_idx %arg11[%add3A_122] : memref<5376xi32, #tpu.memory_space<vmem>>[vector<16xi32>], vector<16xi32>,
        %shift_right_arithmetic3A = arith.constant 0 : i32
        %shift_right_arithmetic3A_124 = vector.broadcast %shift_right_arithmetic3A : i32 to vector<16xi32>
        %shift_right_arithmetic3A_125 = arith.shrsi %gather3A, %shift_right_arithmetic3A_124 : vector<16xi32>
        %and3A = arith.constant 255 : i32
        %and3A_126 = vector.broadcast %and3A : i32 to vector<16xi32>
        %and3A_127 = arith.andi %shift_right_arithmetic3A_125, %and3A_126 : vector<16xi32>
        %mul3A_128 = arith.constant 16 : i32
        %mul3A_129 = vector.broadcast %mul3A_128 : i32 to vector<16xi32>
        %mul3A_130 = arith.muli %and3A_127, %mul3A_129 : vector<16xi32>
        %add3A_131 = arith.addi %mul3A_130, %iota3A : vector<16xi32>
        %gather3A_132 = tpu.vector_load_idx %arg15[%add3A_131] : memref<4096xi32, #tpu.memory_space<vmem>>[vector<16xi32>], vector<16xi32>,
        tpu.vector_store_idx %arg12[%gather3A_132], %gather3A : memref<5376xi32, #tpu.memory_space<vmem>>[vector<16xi32>], vector<16xi32>,
        tpu.vector_store_idx %arg13[%gather3A_132], %gather3A_123 : memref<5376xi32, #tpu.memory_space<vmem>>[vector<16xi32>], vector<16xi32>,
        tpu.vector_store_idx %arg15[%add3A_131], %broadcast_in_dim3A_5 {add = true} : memref<4096xi32, #tpu.memory_space<vmem>>[vector<16xi32>], vector<16xi32>,
      }
      %scan3A_41 = arith.constant 336 : i32
      %scan3A_42 = arith.constant 0 : i32
      %scan3A_43 = arith.constant 256 : i32
      %scan3A_44 = arith.addi %scan3A_42, %scan3A_43 : i32
      %scan3A_45 = arith.constant 1 : i32
      scf.for %scan3A_113 = %scan3A_42 to %scan3A_44 step %scan3A_45  : i32 {
        %mul3A_114 = arith.constant 1 : i32
        %mul3A_115 = arith.muli %scan3A_113, %mul3A_114 : i32
        %add3A_116 = arith.constant 0 : i32
        %add3A_117 = arith.addi %add3A_116, %mul3A_115 : i32
        %mul3A_118 = arith.constant 16 : i32
        %mul3A_119 = arith.muli %add3A_117, %mul3A_118 : i32
        %swap3A = arith.index_cast %mul3A_119 : i32 to index
        %swap3A_120 = tpu.vector_load %arg14[%swap3A] {strides = array<i32>} : memref<4096xi32, #tpu.memory_space<vmem>>, vector<16xi32>,
        tpu.vector_store %arg14[%swap3A], %broadcast_in_dim3A_3 {strides = array<i32>} : memref<4096xi32, #tpu.memory_space<vmem>>, vector<16xi32>,
      }
      %scan3A_46 = arith.constant 256 : i32
      %scan3A_47 = arith.constant 0 : i32
      %scan3A_48 = arith.constant 336 : i32
      %scan3A_49 = arith.addi %scan3A_47, %scan3A_48 : i32
      %scan3A_50 = arith.constant 1 : i32
      scf.for %scan3A_113 = %scan3A_47 to %scan3A_49 step %scan3A_50  : i32 {
        %mul3A_114 = arith.constant 1 : i32
        %mul3A_115 = arith.muli %scan3A_113, %mul3A_114 : i32
        %add3A_116 = arith.constant 0 : i32
        %add3A_117 = arith.addi %add3A_116, %mul3A_115 : i32
        %mul3A_118 = arith.constant 336 : i32
        %mul3A_119 = vector.broadcast %mul3A_118 : i32 to vector<16xi32>
        %mul3A_120 = arith.muli %iota3A, %mul3A_119 : vector<16xi32>
        %add3A_121 = vector.broadcast %add3A_117 : i32 to vector<16xi32>
        %add3A_122 = arith.addi %mul3A_120, %add3A_121 : vector<16xi32>
        %gather3A = tpu.vector_load_idx %arg12[%add3A_122] : memref<5376xi32, #tpu.memory_space<vmem>>[vector<16xi32>], vector<16xi32>,
        %shift_right_arithmetic3A = arith.constant 8 : i32
        %shift_right_arithmetic3A_123 = vector.broadcast %shift_right_arithmetic3A : i32 to vector<16xi32>
        %shift_right_arithmetic3A_124 = arith.shrsi %gather3A, %shift_right_arithmetic3A_123 : vector<16xi32>
        %and3A = arith.constant 255 : i32
        %and3A_125 = vector.broadcast %and3A : i32 to vector<16xi32>
        %and3A_126 = arith.andi %shift_right_arithmetic3A_124, %and3A_125 : vector<16xi32>
        %mul3A_127 = arith.constant 16 : i32
        %mul3A_128 = vector.broadcast %mul3A_127 : i32 to vector<16xi32>
        %mul3A_129 = arith.muli %and3A_126, %mul3A_128 : vector<16xi32>
        %add3A_130 = arith.addi %mul3A_129, %iota3A : vector<16xi32>
        tpu.vector_store_idx %arg14[%add3A_130], %broadcast_in_dim3A_5 {add = true} : memref<4096xi32, #tpu.memory_space<vmem>>[vector<16xi32>], vector<16xi32>,
      }
      %scan3A_51 = arith.constant 336 : i32
      %scan3A_52 = arith.constant 0 : i32
      %scan3A_53 = arith.constant 0 : i32
      %scan3A_54 = arith.constant 256 : i32
      %scan3A_55 = arith.addi %scan3A_53, %scan3A_54 : i32
      %scan3A_56 = arith.constant 1 : i32
      %scan3A_57 = scf.for %scan3A_113 = %scan3A_53 to %scan3A_55 step %scan3A_56 iter_args(%scan3A_114 = %scan3A_52) -> (i32)  : i32 {
        %mul3A_115 = arith.constant 16 : i32
        %mul3A_116 = arith.muli %scan3A_113, %mul3A_115 : i32
        %get3A = arith.index_cast %mul3A_116 : i32 to index
        %get3A_117 = tpu.vector_load %arg14[%get3A] {strides = array<i32>} : memref<4096xi32, #tpu.memory_space<vmem>>, vector<16xi32>,
        %swap3A = arith.constant 0 : index
        %swap3A_118 = tpu.vector_load %arg16[%swap3A] {strides = array<i32>} : memref<16xi32, #tpu.memory_space<vmem>>, vector<16xi32>,
        tpu.vector_store %arg16[%swap3A], %get3A_117 {strides = array<i32>} : memref<16xi32, #tpu.memory_space<vmem>>, vector<16xi32>,
        %sub3A = arith.constant 1 : i32
        %sub3A_119 = vector.broadcast %sub3A : i32 to vector<16xi32>
        %sub3A_120 = arith.subi %iota3A, %sub3A_119 : vector<16xi32>
        %max3A = arith.constant 0 : i32
        %max3A_121 = vector.broadcast %max3A : i32 to vector<16xi32>
        %max3A_122 = arith.maxsi %sub3A_120, %max3A_121 : vector<16xi32>
        %gather3A = tpu.vector_load_idx %arg16[%max3A_122] : memref<16xi32, #tpu.memory_space<vmem>>[vector<16xi32>], vector<16xi32>,
        %ge3A = arith.constant 1 : i32
        %ge3A_123 = vector.broadcast %ge3A : i32 to vector<16xi32>
        %ge3A_124 = arith.cmpi sge, %iota3A, %ge3A_123 : vector<16xi32>
        %jit3A = arith.constant 0 : i32
        %broadcast_in_dim3A_125 = vector.broadcast %jit3A : i32 to vector<16xi32>
        %select_n3A = arith.select %ge3A_124, %gather3A, %broadcast_in_dim3A_125 : vector<16xi1>, vector<16xi32>
        %add3A_126 = arith.addi %get3A_117, %select_n3A : vector<16xi32>
        %swap3A_127 = arith.constant 0 : index
        %swap3A_128 = tpu.vector_load %arg16[%swap3A_127] {strides = array<i32>} : memref<16xi32, #tpu.memory_space<vmem>>, vector<16xi32>,
        tpu.vector_store %arg16[%swap3A_127], %add3A_126 {strides = array<i32>} : memref<16xi32, #tpu.memory_space<vmem>>, vector<16xi32>,
        %sub3A_129 = arith.constant 2 : i32
        %sub3A_130 = vector.broadcast %sub3A_129 : i32 to vector<16xi32>
        %sub3A_131 = arith.subi %iota3A, %sub3A_130 : vector<16xi32>
        %max3A_132 = arith.constant 0 : i32
        %max3A_133 = vector.broadcast %max3A_132 : i32 to vector<16xi32>
        %max3A_134 = arith.maxsi %sub3A_131, %max3A_133 : vector<16xi32>
        %gather3A_135 = tpu.vector_load_idx %arg16[%max3A_134] : memref<16xi32, #tpu.memory_space<vmem>>[vector<16xi32>], vector<16xi32>,
        %ge3A_136 = arith.constant 2 : i32
        %ge3A_137 = vector.broadcast %ge3A_136 : i32 to vector<16xi32>
        %ge3A_138 = arith.cmpi sge, %iota3A, %ge3A_137 : vector<16xi32>
        %jit3A_139 = arith.constant 0 : i32
        %broadcast_in_dim3A_140 = vector.broadcast %jit3A_139 : i32 to vector<16xi32>
        %select_n3A_141 = arith.select %ge3A_138, %gather3A_135, %broadcast_in_dim3A_140 : vector<16xi1>, vector<16xi32>
        %add3A_142 = arith.addi %add3A_126, %select_n3A_141 : vector<16xi32>
        %swap3A_143 = arith.constant 0 : index
        %swap3A_144 = tpu.vector_load %arg16[%swap3A_143] {strides = array<i32>} : memref<16xi32, #tpu.memory_space<vmem>>, vector<16xi32>,
        tpu.vector_store %arg16[%swap3A_143], %add3A_142 {strides = array<i32>} : memref<16xi32, #tpu.memory_space<vmem>>, vector<16xi32>,
        %sub3A_145 = arith.constant 4 : i32
        %sub3A_146 = vector.broadcast %sub3A_145 : i32 to vector<16xi32>
        %sub3A_147 = arith.subi %iota3A, %sub3A_146 : vector<16xi32>
        %max3A_148 = arith.constant 0 : i32
        %max3A_149 = vector.broadcast %max3A_148 : i32 to vector<16xi32>
        %max3A_150 = arith.maxsi %sub3A_147, %max3A_149 : vector<16xi32>
        %gather3A_151 = tpu.vector_load_idx %arg16[%max3A_150] : memref<16xi32, #tpu.memory_space<vmem>>[vector<16xi32>], vector<16xi32>,
        %ge3A_152 = arith.constant 4 : i32
        %ge3A_153 = vector.broadcast %ge3A_152 : i32 to vector<16xi32>
        %ge3A_154 = arith.cmpi sge, %iota3A, %ge3A_153 : vector<16xi32>
        %jit3A_155 = arith.constant 0 : i32
        %broadcast_in_dim3A_156 = vector.broadcast %jit3A_155 : i32 to vector<16xi32>
        %select_n3A_157 = arith.select %ge3A_154, %gather3A_151, %broadcast_in_dim3A_156 : vector<16xi1>, vector<16xi32>
        %add3A_158 = arith.addi %add3A_142, %select_n3A_157 : vector<16xi32>
        %swap3A_159 = arith.constant 0 : index
        %swap3A_160 = tpu.vector_load %arg16[%swap3A_159] {strides = array<i32>} : memref<16xi32, #tpu.memory_space<vmem>>, vector<16xi32>,
        tpu.vector_store %arg16[%swap3A_159], %add3A_158 {strides = array<i32>} : memref<16xi32, #tpu.memory_space<vmem>>, vector<16xi32>,
        %sub3A_161 = arith.constant 8 : i32
        %sub3A_162 = vector.broadcast %sub3A_161 : i32 to vector<16xi32>
        %sub3A_163 = arith.subi %iota3A, %sub3A_162 : vector<16xi32>
        %max3A_164 = arith.constant 0 : i32
        %max3A_165 = vector.broadcast %max3A_164 : i32 to vector<16xi32>
        %max3A_166 = arith.maxsi %sub3A_163, %max3A_165 : vector<16xi32>
        %gather3A_167 = tpu.vector_load_idx %arg16[%max3A_166] : memref<16xi32, #tpu.memory_space<vmem>>[vector<16xi32>], vector<16xi32>,
        %ge3A_168 = arith.constant 8 : i32
        %ge3A_169 = vector.broadcast %ge3A_168 : i32 to vector<16xi32>
        %ge3A_170 = arith.cmpi sge, %iota3A, %ge3A_169 : vector<16xi32>
        %jit3A_171 = arith.constant 0 : i32
        %broadcast_in_dim3A_172 = vector.broadcast %jit3A_171 : i32 to vector<16xi32>
        %select_n3A_173 = arith.select %ge3A_170, %gather3A_167, %broadcast_in_dim3A_172 : vector<16xi1>, vector<16xi32>
        %add3A_174 = arith.addi %add3A_158, %select_n3A_173 : vector<16xi32>
        %sub3A_175 = arith.subi %add3A_174, %get3A_117 : vector<16xi32>
        %add3A_176 = vector.broadcast %scan3A_114 : i32 to vector<16xi32>
        %add3A_177 = arith.addi %sub3A_175, %add3A_176 : vector<16xi32>
        %mul3A_178 = arith.constant 16 : i32
        %mul3A_179 = arith.muli %scan3A_113, %mul3A_178 : i32
        %swap3A_180 = arith.index_cast %mul3A_179 : i32 to index
        %swap3A_181 = tpu.vector_load %arg15[%swap3A_180] {strides = array<i32>} : memref<4096xi32, #tpu.memory_space<vmem>>, vector<16xi32>,
        tpu.vector_store %arg15[%swap3A_180], %add3A_177 {strides = array<i32>} : memref<4096xi32, #tpu.memory_space<vmem>>, vector<16xi32>,
        %reduce_sum3A = arith.constant true
        %reduce_sum3A_182 = vector.broadcast %reduce_sum3A : i1 to vector<16xi1>
        %reduce_sum3A_183 = tpu.scan <sum>, %get3A_117 masked %reduce_sum3A_182 : vector<16xi32>, vector<16xi1> -> vector<16xi32>
        %reduce_sum3A_184 = vector.extract %reduce_sum3A_183[15] : i32 from vector<16xi32>
        %add3A_185 = arith.addi %scan3A_114, %reduce_sum3A_184 : i32
        scf.yield %add3A_185 : i32
      }
      %scan3A_58 = arith.constant 256 : i32
      %scan3A_59 = arith.constant 0 : i32
      %scan3A_60 = arith.constant 336 : i32
      %scan3A_61 = arith.addi %scan3A_59, %scan3A_60 : i32
      %scan3A_62 = arith.constant 1 : i32
      scf.for %scan3A_113 = %scan3A_59 to %scan3A_61 step %scan3A_62  : i32 {
        %mul3A_114 = arith.constant 1 : i32
        %mul3A_115 = arith.muli %scan3A_113, %mul3A_114 : i32
        %add3A_116 = arith.constant 0 : i32
        %add3A_117 = arith.addi %add3A_116, %mul3A_115 : i32
        %mul3A_118 = arith.constant 336 : i32
        %mul3A_119 = vector.broadcast %mul3A_118 : i32 to vector<16xi32>
        %mul3A_120 = arith.muli %iota3A, %mul3A_119 : vector<16xi32>
        %add3A_121 = vector.broadcast %add3A_117 : i32 to vector<16xi32>
        %add3A_122 = arith.addi %mul3A_120, %add3A_121 : vector<16xi32>
        %gather3A = tpu.vector_load_idx %arg12[%add3A_122] : memref<5376xi32, #tpu.memory_space<vmem>>[vector<16xi32>], vector<16xi32>,
        %gather3A_123 = tpu.vector_load_idx %arg13[%add3A_122] : memref<5376xi32, #tpu.memory_space<vmem>>[vector<16xi32>], vector<16xi32>,
        %shift_right_arithmetic3A = arith.constant 8 : i32
        %shift_right_arithmetic3A_124 = vector.broadcast %shift_right_arithmetic3A : i32 to vector<16xi32>
        %shift_right_arithmetic3A_125 = arith.shrsi %gather3A, %shift_right_arithmetic3A_124 : vector<16xi32>
        %and3A = arith.constant 255 : i32
        %and3A_126 = vector.broadcast %and3A : i32 to vector<16xi32>
        %and3A_127 = arith.andi %shift_right_arithmetic3A_125, %and3A_126 : vector<16xi32>
        %mul3A_128 = arith.constant 16 : i32
        %mul3A_129 = vector.broadcast %mul3A_128 : i32 to vector<16xi32>
        %mul3A_130 = arith.muli %and3A_127, %mul3A_129 : vector<16xi32>
        %add3A_131 = arith.addi %mul3A_130, %iota3A : vector<16xi32>
        %gather3A_132 = tpu.vector_load_idx %arg15[%add3A_131] : memref<4096xi32, #tpu.memory_space<vmem>>[vector<16xi32>], vector<16xi32>,
        tpu.vector_store_idx %arg10[%gather3A_132], %gather3A : memref<5376xi32, #tpu.memory_space<vmem>>[vector<16xi32>], vector<16xi32>,
        tpu.vector_store_idx %arg11[%gather3A_132], %gather3A_123 : memref<5376xi32, #tpu.memory_space<vmem>>[vector<16xi32>], vector<16xi32>,
        tpu.vector_store_idx %arg15[%add3A_131], %broadcast_in_dim3A_5 {add = true} : memref<4096xi32, #tpu.memory_space<vmem>>[vector<16xi32>], vector<16xi32>,
      }
      %scan3A_63 = arith.constant 336 : i32
      %scan3A_64 = arith.constant 0 : i32
      %scan3A_65 = arith.constant 256 : i32
      %scan3A_66 = arith.addi %scan3A_64, %scan3A_65 : i32
      %scan3A_67 = arith.constant 1 : i32
      scf.for %scan3A_113 = %scan3A_64 to %scan3A_66 step %scan3A_67  : i32 {
        %mul3A_114 = arith.constant 1 : i32
        %mul3A_115 = arith.muli %scan3A_113, %mul3A_114 : i32
        %add3A_116 = arith.constant 0 : i32
        %add3A_117 = arith.addi %add3A_116, %mul3A_115 : i32
        %mul3A_118 = arith.constant 16 : i32
        %mul3A_119 = arith.muli %add3A_117, %mul3A_118 : i32
        %swap3A = arith.index_cast %mul3A_119 : i32 to index
        %swap3A_120 = tpu.vector_load %arg14[%swap3A] {strides = array<i32>} : memref<4096xi32, #tpu.memory_space<vmem>>, vector<16xi32>,
        tpu.vector_store %arg14[%swap3A], %broadcast_in_dim3A_3 {strides = array<i32>} : memref<4096xi32, #tpu.memory_space<vmem>>, vector<16xi32>,
      }
      %scan3A_68 = arith.constant 256 : i32
      %scan3A_69 = arith.constant 0 : i32
      %scan3A_70 = arith.constant 336 : i32
      %scan3A_71 = arith.addi %scan3A_69, %scan3A_70 : i32
      %scan3A_72 = arith.constant 1 : i32
      scf.for %scan3A_113 = %scan3A_69 to %scan3A_71 step %scan3A_72  : i32 {
        %mul3A_114 = arith.constant 1 : i32
        %mul3A_115 = arith.muli %scan3A_113, %mul3A_114 : i32
        %add3A_116 = arith.constant 0 : i32
        %add3A_117 = arith.addi %add3A_116, %mul3A_115 : i32
        %mul3A_118 = arith.constant 336 : i32
        %mul3A_119 = vector.broadcast %mul3A_118 : i32 to vector<16xi32>
        %mul3A_120 = arith.muli %iota3A, %mul3A_119 : vector<16xi32>
        %add3A_121 = vector.broadcast %add3A_117 : i32 to vector<16xi32>
        %add3A_122 = arith.addi %mul3A_120, %add3A_121 : vector<16xi32>
        %gather3A = tpu.vector_load_idx %arg10[%add3A_122] : memref<5376xi32, #tpu.memory_space<vmem>>[vector<16xi32>], vector<16xi32>,
        %shift_right_arithmetic3A = arith.constant 16 : i32
        %shift_right_arithmetic3A_123 = vector.broadcast %shift_right_arithmetic3A : i32 to vector<16xi32>
        %shift_right_arithmetic3A_124 = arith.shrsi %gather3A, %shift_right_arithmetic3A_123 : vector<16xi32>
        %and3A = arith.constant 255 : i32
        %and3A_125 = vector.broadcast %and3A : i32 to vector<16xi32>
        %and3A_126 = arith.andi %shift_right_arithmetic3A_124, %and3A_125 : vector<16xi32>
        %mul3A_127 = arith.constant 16 : i32
        %mul3A_128 = vector.broadcast %mul3A_127 : i32 to vector<16xi32>
        %mul3A_129 = arith.muli %and3A_126, %mul3A_128 : vector<16xi32>
        %add3A_130 = arith.addi %mul3A_129, %iota3A : vector<16xi32>
        tpu.vector_store_idx %arg14[%add3A_130], %broadcast_in_dim3A_5 {add = true} : memref<4096xi32, #tpu.memory_space<vmem>>[vector<16xi32>], vector<16xi32>,
      }
      %scan3A_73 = arith.constant 336 : i32
      %scan3A_74 = arith.constant 0 : i32
      %scan3A_75 = arith.constant 0 : i32
      %scan3A_76 = arith.constant 256 : i32
      %scan3A_77 = arith.addi %scan3A_75, %scan3A_76 : i32
      %scan3A_78 = arith.constant 1 : i32
      %scan3A_79 = scf.for %scan3A_113 = %scan3A_75 to %scan3A_77 step %scan3A_78 iter_args(%scan3A_114 = %scan3A_74) -> (i32)  : i32 {
        %mul3A_115 = arith.constant 16 : i32
        %mul3A_116 = arith.muli %scan3A_113, %mul3A_115 : i32
        %get3A = arith.index_cast %mul3A_116 : i32 to index
        %get3A_117 = tpu.vector_load %arg14[%get3A] {strides = array<i32>} : memref<4096xi32, #tpu.memory_space<vmem>>, vector<16xi32>,
        %swap3A = arith.constant 0 : index
        %swap3A_118 = tpu.vector_load %arg16[%swap3A] {strides = array<i32>} : memref<16xi32, #tpu.memory_space<vmem>>, vector<16xi32>,
        tpu.vector_store %arg16[%swap3A], %get3A_117 {strides = array<i32>} : memref<16xi32, #tpu.memory_space<vmem>>, vector<16xi32>,
        %sub3A = arith.constant 1 : i32
        %sub3A_119 = vector.broadcast %sub3A : i32 to vector<16xi32>
        %sub3A_120 = arith.subi %iota3A, %sub3A_119 : vector<16xi32>
        %max3A = arith.constant 0 : i32
        %max3A_121 = vector.broadcast %max3A : i32 to vector<16xi32>
        %max3A_122 = arith.maxsi %sub3A_120, %max3A_121 : vector<16xi32>
        %gather3A = tpu.vector_load_idx %arg16[%max3A_122] : memref<16xi32, #tpu.memory_space<vmem>>[vector<16xi32>], vector<16xi32>,
        %ge3A = arith.constant 1 : i32
        %ge3A_123 = vector.broadcast %ge3A : i32 to vector<16xi32>
        %ge3A_124 = arith.cmpi sge, %iota3A, %ge3A_123 : vector<16xi32>
        %jit3A = arith.constant 0 : i32
        %broadcast_in_dim3A_125 = vector.broadcast %jit3A : i32 to vector<16xi32>
        %select_n3A = arith.select %ge3A_124, %gather3A, %broadcast_in_dim3A_125 : vector<16xi1>, vector<16xi32>
        %add3A_126 = arith.addi %get3A_117, %select_n3A : vector<16xi32>
        %swap3A_127 = arith.constant 0 : index
        %swap3A_128 = tpu.vector_load %arg16[%swap3A_127] {strides = array<i32>} : memref<16xi32, #tpu.memory_space<vmem>>, vector<16xi32>,
        tpu.vector_store %arg16[%swap3A_127], %add3A_126 {strides = array<i32>} : memref<16xi32, #tpu.memory_space<vmem>>, vector<16xi32>,
        %sub3A_129 = arith.constant 2 : i32
        %sub3A_130 = vector.broadcast %sub3A_129 : i32 to vector<16xi32>
        %sub3A_131 = arith.subi %iota3A, %sub3A_130 : vector<16xi32>
        %max3A_132 = arith.constant 0 : i32
        %max3A_133 = vector.broadcast %max3A_132 : i32 to vector<16xi32>
        %max3A_134 = arith.maxsi %sub3A_131, %max3A_133 : vector<16xi32>
        %gather3A_135 = tpu.vector_load_idx %arg16[%max3A_134] : memref<16xi32, #tpu.memory_space<vmem>>[vector<16xi32>], vector<16xi32>,
        %ge3A_136 = arith.constant 2 : i32
        %ge3A_137 = vector.broadcast %ge3A_136 : i32 to vector<16xi32>
        %ge3A_138 = arith.cmpi sge, %iota3A, %ge3A_137 : vector<16xi32>
        %jit3A_139 = arith.constant 0 : i32
        %broadcast_in_dim3A_140 = vector.broadcast %jit3A_139 : i32 to vector<16xi32>
        %select_n3A_141 = arith.select %ge3A_138, %gather3A_135, %broadcast_in_dim3A_140 : vector<16xi1>, vector<16xi32>
        %add3A_142 = arith.addi %add3A_126, %select_n3A_141 : vector<16xi32>
        %swap3A_143 = arith.constant 0 : index
        %swap3A_144 = tpu.vector_load %arg16[%swap3A_143] {strides = array<i32>} : memref<16xi32, #tpu.memory_space<vmem>>, vector<16xi32>,
        tpu.vector_store %arg16[%swap3A_143], %add3A_142 {strides = array<i32>} : memref<16xi32, #tpu.memory_space<vmem>>, vector<16xi32>,
        %sub3A_145 = arith.constant 4 : i32
        %sub3A_146 = vector.broadcast %sub3A_145 : i32 to vector<16xi32>
        %sub3A_147 = arith.subi %iota3A, %sub3A_146 : vector<16xi32>
        %max3A_148 = arith.constant 0 : i32
        %max3A_149 = vector.broadcast %max3A_148 : i32 to vector<16xi32>
        %max3A_150 = arith.maxsi %sub3A_147, %max3A_149 : vector<16xi32>
        %gather3A_151 = tpu.vector_load_idx %arg16[%max3A_150] : memref<16xi32, #tpu.memory_space<vmem>>[vector<16xi32>], vector<16xi32>,
        %ge3A_152 = arith.constant 4 : i32
        %ge3A_153 = vector.broadcast %ge3A_152 : i32 to vector<16xi32>
        %ge3A_154 = arith.cmpi sge, %iota3A, %ge3A_153 : vector<16xi32>
        %jit3A_155 = arith.constant 0 : i32
        %broadcast_in_dim3A_156 = vector.broadcast %jit3A_155 : i32 to vector<16xi32>
        %select_n3A_157 = arith.select %ge3A_154, %gather3A_151, %broadcast_in_dim3A_156 : vector<16xi1>, vector<16xi32>
        %add3A_158 = arith.addi %add3A_142, %select_n3A_157 : vector<16xi32>
        %swap3A_159 = arith.constant 0 : index
        %swap3A_160 = tpu.vector_load %arg16[%swap3A_159] {strides = array<i32>} : memref<16xi32, #tpu.memory_space<vmem>>, vector<16xi32>,
        tpu.vector_store %arg16[%swap3A_159], %add3A_158 {strides = array<i32>} : memref<16xi32, #tpu.memory_space<vmem>>, vector<16xi32>,
        %sub3A_161 = arith.constant 8 : i32
        %sub3A_162 = vector.broadcast %sub3A_161 : i32 to vector<16xi32>
        %sub3A_163 = arith.subi %iota3A, %sub3A_162 : vector<16xi32>
        %max3A_164 = arith.constant 0 : i32
        %max3A_165 = vector.broadcast %max3A_164 : i32 to vector<16xi32>
        %max3A_166 = arith.maxsi %sub3A_163, %max3A_165 : vector<16xi32>
        %gather3A_167 = tpu.vector_load_idx %arg16[%max3A_166] : memref<16xi32, #tpu.memory_space<vmem>>[vector<16xi32>], vector<16xi32>,
        %ge3A_168 = arith.constant 8 : i32
        %ge3A_169 = vector.broadcast %ge3A_168 : i32 to vector<16xi32>
        %ge3A_170 = arith.cmpi sge, %iota3A, %ge3A_169 : vector<16xi32>
        %jit3A_171 = arith.constant 0 : i32
        %broadcast_in_dim3A_172 = vector.broadcast %jit3A_171 : i32 to vector<16xi32>
        %select_n3A_173 = arith.select %ge3A_170, %gather3A_167, %broadcast_in_dim3A_172 : vector<16xi1>, vector<16xi32>
        %add3A_174 = arith.addi %add3A_158, %select_n3A_173 : vector<16xi32>
        %sub3A_175 = arith.subi %add3A_174, %get3A_117 : vector<16xi32>
        %add3A_176 = vector.broadcast %scan3A_114 : i32 to vector<16xi32>
        %add3A_177 = arith.addi %sub3A_175, %add3A_176 : vector<16xi32>
        %mul3A_178 = arith.constant 16 : i32
        %mul3A_179 = arith.muli %scan3A_113, %mul3A_178 : i32
        %swap3A_180 = arith.index_cast %mul3A_179 : i32 to index
        %swap3A_181 = tpu.vector_load %arg15[%swap3A_180] {strides = array<i32>} : memref<4096xi32, #tpu.memory_space<vmem>>, vector<16xi32>,
        tpu.vector_store %arg15[%swap3A_180], %add3A_177 {strides = array<i32>} : memref<4096xi32, #tpu.memory_space<vmem>>, vector<16xi32>,
        %reduce_sum3A = arith.constant true
        %reduce_sum3A_182 = vector.broadcast %reduce_sum3A : i1 to vector<16xi1>
        %reduce_sum3A_183 = tpu.scan <sum>, %get3A_117 masked %reduce_sum3A_182 : vector<16xi32>, vector<16xi1> -> vector<16xi32>
        %reduce_sum3A_184 = vector.extract %reduce_sum3A_183[15] : i32 from vector<16xi32>
        %add3A_185 = arith.addi %scan3A_114, %reduce_sum3A_184 : i32
        scf.yield %add3A_185 : i32
      }
      %scan3A_80 = arith.constant 256 : i32
      %scan3A_81 = arith.constant 0 : i32
      %scan3A_82 = arith.constant 336 : i32
      %scan3A_83 = arith.addi %scan3A_81, %scan3A_82 : i32
      %scan3A_84 = arith.constant 1 : i32
      scf.for %scan3A_113 = %scan3A_81 to %scan3A_83 step %scan3A_84  : i32 {
        %mul3A_114 = arith.constant 1 : i32
        %mul3A_115 = arith.muli %scan3A_113, %mul3A_114 : i32
        %add3A_116 = arith.constant 0 : i32
        %add3A_117 = arith.addi %add3A_116, %mul3A_115 : i32
        %mul3A_118 = arith.constant 336 : i32
        %mul3A_119 = vector.broadcast %mul3A_118 : i32 to vector<16xi32>
        %mul3A_120 = arith.muli %iota3A, %mul3A_119 : vector<16xi32>
        %add3A_121 = vector.broadcast %add3A_117 : i32 to vector<16xi32>
        %add3A_122 = arith.addi %mul3A_120, %add3A_121 : vector<16xi32>
        %gather3A = tpu.vector_load_idx %arg10[%add3A_122] : memref<5376xi32, #tpu.memory_space<vmem>>[vector<16xi32>], vector<16xi32>,
        %gather3A_123 = tpu.vector_load_idx %arg11[%add3A_122] : memref<5376xi32, #tpu.memory_space<vmem>>[vector<16xi32>], vector<16xi32>,
        %shift_right_arithmetic3A = arith.constant 16 : i32
        %shift_right_arithmetic3A_124 = vector.broadcast %shift_right_arithmetic3A : i32 to vector<16xi32>
        %shift_right_arithmetic3A_125 = arith.shrsi %gather3A, %shift_right_arithmetic3A_124 : vector<16xi32>
        %and3A = arith.constant 255 : i32
        %and3A_126 = vector.broadcast %and3A : i32 to vector<16xi32>
        %and3A_127 = arith.andi %shift_right_arithmetic3A_125, %and3A_126 : vector<16xi32>
        %mul3A_128 = arith.constant 16 : i32
        %mul3A_129 = vector.broadcast %mul3A_128 : i32 to vector<16xi32>
        %mul3A_130 = arith.muli %and3A_127, %mul3A_129 : vector<16xi32>
        %add3A_131 = arith.addi %mul3A_130, %iota3A : vector<16xi32>
        %gather3A_132 = tpu.vector_load_idx %arg15[%add3A_131] : memref<4096xi32, #tpu.memory_space<vmem>>[vector<16xi32>], vector<16xi32>,
        tpu.vector_store_idx %arg12[%gather3A_132], %gather3A : memref<5376xi32, #tpu.memory_space<vmem>>[vector<16xi32>], vector<16xi32>,
        tpu.vector_store_idx %arg13[%gather3A_132], %gather3A_123 : memref<5376xi32, #tpu.memory_space<vmem>>[vector<16xi32>], vector<16xi32>,
        tpu.vector_store_idx %arg15[%add3A_131], %broadcast_in_dim3A_5 {add = true} : memref<4096xi32, #tpu.memory_space<vmem>>[vector<16xi32>], vector<16xi32>,
      }
      %scan3A_85 = arith.constant 336 : i32
      %scan3A_86 = arith.constant 0 : i32
      %scan3A_87 = arith.constant 256 : i32
      %scan3A_88 = arith.addi %scan3A_86, %scan3A_87 : i32
      %scan3A_89 = arith.constant 1 : i32
      scf.for %scan3A_113 = %scan3A_86 to %scan3A_88 step %scan3A_89  : i32 {
        %mul3A_114 = arith.constant 1 : i32
        %mul3A_115 = arith.muli %scan3A_113, %mul3A_114 : i32
        %add3A_116 = arith.constant 0 : i32
        %add3A_117 = arith.addi %add3A_116, %mul3A_115 : i32
        %mul3A_118 = arith.constant 16 : i32
        %mul3A_119 = arith.muli %add3A_117, %mul3A_118 : i32
        %swap3A = arith.index_cast %mul3A_119 : i32 to index
        %swap3A_120 = tpu.vector_load %arg14[%swap3A] {strides = array<i32>} : memref<4096xi32, #tpu.memory_space<vmem>>, vector<16xi32>,
        tpu.vector_store %arg14[%swap3A], %broadcast_in_dim3A_3 {strides = array<i32>} : memref<4096xi32, #tpu.memory_space<vmem>>, vector<16xi32>,
      }
      %scan3A_90 = arith.constant 256 : i32
      %scan3A_91 = arith.constant 0 : i32
      %scan3A_92 = arith.constant 336 : i32
      %scan3A_93 = arith.addi %scan3A_91, %scan3A_92 : i32
      %scan3A_94 = arith.constant 1 : i32
      scf.for %scan3A_113 = %scan3A_91 to %scan3A_93 step %scan3A_94  : i32 {
        %mul3A_114 = arith.constant 1 : i32
        %mul3A_115 = arith.muli %scan3A_113, %mul3A_114 : i32
        %add3A_116 = arith.constant 0 : i32
        %add3A_117 = arith.addi %add3A_116, %mul3A_115 : i32
        %mul3A_118 = arith.constant 336 : i32
        %mul3A_119 = vector.broadcast %mul3A_118 : i32 to vector<16xi32>
        %mul3A_120 = arith.muli %iota3A, %mul3A_119 : vector<16xi32>
        %add3A_121 = vector.broadcast %add3A_117 : i32 to vector<16xi32>
        %add3A_122 = arith.addi %mul3A_120, %add3A_121 : vector<16xi32>
        %gather3A = tpu.vector_load_idx %arg12[%add3A_122] : memref<5376xi32, #tpu.memory_space<vmem>>[vector<16xi32>], vector<16xi32>,
        %shift_right_arithmetic3A = arith.constant 24 : i32
        %shift_right_arithmetic3A_123 = vector.broadcast %shift_right_arithmetic3A : i32 to vector<16xi32>
        %shift_right_arithmetic3A_124 = arith.shrsi %gather3A, %shift_right_arithmetic3A_123 : vector<16xi32>
        %and3A = arith.constant 255 : i32
        %and3A_125 = vector.broadcast %and3A : i32 to vector<16xi32>
        %and3A_126 = arith.andi %shift_right_arithmetic3A_124, %and3A_125 : vector<16xi32>
        %mul3A_127 = arith.constant 16 : i32
        %mul3A_128 = vector.broadcast %mul3A_127 : i32 to vector<16xi32>
        %mul3A_129 = arith.muli %and3A_126, %mul3A_128 : vector<16xi32>
        %add3A_130 = arith.addi %mul3A_129, %iota3A : vector<16xi32>
        tpu.vector_store_idx %arg14[%add3A_130], %broadcast_in_dim3A_5 {add = true} : memref<4096xi32, #tpu.memory_space<vmem>>[vector<16xi32>], vector<16xi32>,
      }
      %scan3A_95 = arith.constant 336 : i32
      %scan3A_96 = arith.constant 0 : i32
      %scan3A_97 = arith.constant 0 : i32
      %scan3A_98 = arith.constant 256 : i32
      %scan3A_99 = arith.addi %scan3A_97, %scan3A_98 : i32
      %scan3A_100 = arith.constant 1 : i32
      %scan3A_101 = scf.for %scan3A_113 = %scan3A_97 to %scan3A_99 step %scan3A_100 iter_args(%scan3A_114 = %scan3A_96) -> (i32)  : i32 {
        %mul3A_115 = arith.constant 16 : i32
        %mul3A_116 = arith.muli %scan3A_113, %mul3A_115 : i32
        %get3A = arith.index_cast %mul3A_116 : i32 to index
        %get3A_117 = tpu.vector_load %arg14[%get3A] {strides = array<i32>} : memref<4096xi32, #tpu.memory_space<vmem>>, vector<16xi32>,
        %swap3A = arith.constant 0 : index
        %swap3A_118 = tpu.vector_load %arg16[%swap3A] {strides = array<i32>} : memref<16xi32, #tpu.memory_space<vmem>>, vector<16xi32>,
        tpu.vector_store %arg16[%swap3A], %get3A_117 {strides = array<i32>} : memref<16xi32, #tpu.memory_space<vmem>>, vector<16xi32>,
        %sub3A = arith.constant 1 : i32
        %sub3A_119 = vector.broadcast %sub3A : i32 to vector<16xi32>
        %sub3A_120 = arith.subi %iota3A, %sub3A_119 : vector<16xi32>
        %max3A = arith.constant 0 : i32
        %max3A_121 = vector.broadcast %max3A : i32 to vector<16xi32>
        %max3A_122 = arith.maxsi %sub3A_120, %max3A_121 : vector<16xi32>
        %gather3A = tpu.vector_load_idx %arg16[%max3A_122] : memref<16xi32, #tpu.memory_space<vmem>>[vector<16xi32>], vector<16xi32>,
        %ge3A = arith.constant 1 : i32
        %ge3A_123 = vector.broadcast %ge3A : i32 to vector<16xi32>
        %ge3A_124 = arith.cmpi sge, %iota3A, %ge3A_123 : vector<16xi32>
        %jit3A = arith.constant 0 : i32
        %broadcast_in_dim3A_125 = vector.broadcast %jit3A : i32 to vector<16xi32>
        %select_n3A = arith.select %ge3A_124, %gather3A, %broadcast_in_dim3A_125 : vector<16xi1>, vector<16xi32>
        %add3A_126 = arith.addi %get3A_117, %select_n3A : vector<16xi32>
        %swap3A_127 = arith.constant 0 : index
        %swap3A_128 = tpu.vector_load %arg16[%swap3A_127] {strides = array<i32>} : memref<16xi32, #tpu.memory_space<vmem>>, vector<16xi32>,
        tpu.vector_store %arg16[%swap3A_127], %add3A_126 {strides = array<i32>} : memref<16xi32, #tpu.memory_space<vmem>>, vector<16xi32>,
        %sub3A_129 = arith.constant 2 : i32
        %sub3A_130 = vector.broadcast %sub3A_129 : i32 to vector<16xi32>
        %sub3A_131 = arith.subi %iota3A, %sub3A_130 : vector<16xi32>
        %max3A_132 = arith.constant 0 : i32
        %max3A_133 = vector.broadcast %max3A_132 : i32 to vector<16xi32>
        %max3A_134 = arith.maxsi %sub3A_131, %max3A_133 : vector<16xi32>
        %gather3A_135 = tpu.vector_load_idx %arg16[%max3A_134] : memref<16xi32, #tpu.memory_space<vmem>>[vector<16xi32>], vector<16xi32>,
        %ge3A_136 = arith.constant 2 : i32
        %ge3A_137 = vector.broadcast %ge3A_136 : i32 to vector<16xi32>
        %ge3A_138 = arith.cmpi sge, %iota3A, %ge3A_137 : vector<16xi32>
        %jit3A_139 = arith.constant 0 : i32
        %broadcast_in_dim3A_140 = vector.broadcast %jit3A_139 : i32 to vector<16xi32>
        %select_n3A_141 = arith.select %ge3A_138, %gather3A_135, %broadcast_in_dim3A_140 : vector<16xi1>, vector<16xi32>
        %add3A_142 = arith.addi %add3A_126, %select_n3A_141 : vector<16xi32>
        %swap3A_143 = arith.constant 0 : index
        %swap3A_144 = tpu.vector_load %arg16[%swap3A_143] {strides = array<i32>} : memref<16xi32, #tpu.memory_space<vmem>>, vector<16xi32>,
        tpu.vector_store %arg16[%swap3A_143], %add3A_142 {strides = array<i32>} : memref<16xi32, #tpu.memory_space<vmem>>, vector<16xi32>,
        %sub3A_145 = arith.constant 4 : i32
        %sub3A_146 = vector.broadcast %sub3A_145 : i32 to vector<16xi32>
        %sub3A_147 = arith.subi %iota3A, %sub3A_146 : vector<16xi32>
        %max3A_148 = arith.constant 0 : i32
        %max3A_149 = vector.broadcast %max3A_148 : i32 to vector<16xi32>
        %max3A_150 = arith.maxsi %sub3A_147, %max3A_149 : vector<16xi32>
        %gather3A_151 = tpu.vector_load_idx %arg16[%max3A_150] : memref<16xi32, #tpu.memory_space<vmem>>[vector<16xi32>], vector<16xi32>,
        %ge3A_152 = arith.constant 4 : i32
        %ge3A_153 = vector.broadcast %ge3A_152 : i32 to vector<16xi32>
        %ge3A_154 = arith.cmpi sge, %iota3A, %ge3A_153 : vector<16xi32>
        %jit3A_155 = arith.constant 0 : i32
        %broadcast_in_dim3A_156 = vector.broadcast %jit3A_155 : i32 to vector<16xi32>
        %select_n3A_157 = arith.select %ge3A_154, %gather3A_151, %broadcast_in_dim3A_156 : vector<16xi1>, vector<16xi32>
        %add3A_158 = arith.addi %add3A_142, %select_n3A_157 : vector<16xi32>
        %swap3A_159 = arith.constant 0 : index
        %swap3A_160 = tpu.vector_load %arg16[%swap3A_159] {strides = array<i32>} : memref<16xi32, #tpu.memory_space<vmem>>, vector<16xi32>,
        tpu.vector_store %arg16[%swap3A_159], %add3A_158 {strides = array<i32>} : memref<16xi32, #tpu.memory_space<vmem>>, vector<16xi32>,
        %sub3A_161 = arith.constant 8 : i32
        %sub3A_162 = vector.broadcast %sub3A_161 : i32 to vector<16xi32>
        %sub3A_163 = arith.subi %iota3A, %sub3A_162 : vector<16xi32>
        %max3A_164 = arith.constant 0 : i32
        %max3A_165 = vector.broadcast %max3A_164 : i32 to vector<16xi32>
        %max3A_166 = arith.maxsi %sub3A_163, %max3A_165 : vector<16xi32>
        %gather3A_167 = tpu.vector_load_idx %arg16[%max3A_166] : memref<16xi32, #tpu.memory_space<vmem>>[vector<16xi32>], vector<16xi32>,
        %ge3A_168 = arith.constant 8 : i32
        %ge3A_169 = vector.broadcast %ge3A_168 : i32 to vector<16xi32>
        %ge3A_170 = arith.cmpi sge, %iota3A, %ge3A_169 : vector<16xi32>
        %jit3A_171 = arith.constant 0 : i32
        %broadcast_in_dim3A_172 = vector.broadcast %jit3A_171 : i32 to vector<16xi32>
        %select_n3A_173 = arith.select %ge3A_170, %gather3A_167, %broadcast_in_dim3A_172 : vector<16xi1>, vector<16xi32>
        %add3A_174 = arith.addi %add3A_158, %select_n3A_173 : vector<16xi32>
        %sub3A_175 = arith.subi %add3A_174, %get3A_117 : vector<16xi32>
        %add3A_176 = vector.broadcast %scan3A_114 : i32 to vector<16xi32>
        %add3A_177 = arith.addi %sub3A_175, %add3A_176 : vector<16xi32>
        %mul3A_178 = arith.constant 16 : i32
        %mul3A_179 = arith.muli %scan3A_113, %mul3A_178 : i32
        %swap3A_180 = arith.index_cast %mul3A_179 : i32 to index
        %swap3A_181 = tpu.vector_load %arg15[%swap3A_180] {strides = array<i32>} : memref<4096xi32, #tpu.memory_space<vmem>>, vector<16xi32>,
        tpu.vector_store %arg15[%swap3A_180], %add3A_177 {strides = array<i32>} : memref<4096xi32, #tpu.memory_space<vmem>>, vector<16xi32>,
        %reduce_sum3A = arith.constant true
        %reduce_sum3A_182 = vector.broadcast %reduce_sum3A : i1 to vector<16xi1>
        %reduce_sum3A_183 = tpu.scan <sum>, %get3A_117 masked %reduce_sum3A_182 : vector<16xi32>, vector<16xi1> -> vector<16xi32>
        %reduce_sum3A_184 = vector.extract %reduce_sum3A_183[15] : i32 from vector<16xi32>
        %add3A_185 = arith.addi %scan3A_114, %reduce_sum3A_184 : i32
        scf.yield %add3A_185 : i32
      }
      %scan3A_102 = arith.constant 256 : i32
      %scan3A_103 = arith.constant 0 : i32
      %scan3A_104 = arith.constant 336 : i32
      %scan3A_105 = arith.addi %scan3A_103, %scan3A_104 : i32
      %scan3A_106 = arith.constant 1 : i32
      scf.for %scan3A_113 = %scan3A_103 to %scan3A_105 step %scan3A_106  : i32 {
        %mul3A_114 = arith.constant 1 : i32
        %mul3A_115 = arith.muli %scan3A_113, %mul3A_114 : i32
        %add3A_116 = arith.constant 0 : i32
        %add3A_117 = arith.addi %add3A_116, %mul3A_115 : i32
        %mul3A_118 = arith.constant 336 : i32
        %mul3A_119 = vector.broadcast %mul3A_118 : i32 to vector<16xi32>
        %mul3A_120 = arith.muli %iota3A, %mul3A_119 : vector<16xi32>
        %add3A_121 = vector.broadcast %add3A_117 : i32 to vector<16xi32>
        %add3A_122 = arith.addi %mul3A_120, %add3A_121 : vector<16xi32>
        %gather3A = tpu.vector_load_idx %arg12[%add3A_122] : memref<5376xi32, #tpu.memory_space<vmem>>[vector<16xi32>], vector<16xi32>,
        %gather3A_123 = tpu.vector_load_idx %arg13[%add3A_122] : memref<5376xi32, #tpu.memory_space<vmem>>[vector<16xi32>], vector<16xi32>,
        %shift_right_arithmetic3A = arith.constant 24 : i32
        %shift_right_arithmetic3A_124 = vector.broadcast %shift_right_arithmetic3A : i32 to vector<16xi32>
        %shift_right_arithmetic3A_125 = arith.shrsi %gather3A, %shift_right_arithmetic3A_124 : vector<16xi32>
        %and3A = arith.constant 255 : i32
        %and3A_126 = vector.broadcast %and3A : i32 to vector<16xi32>
        %and3A_127 = arith.andi %shift_right_arithmetic3A_125, %and3A_126 : vector<16xi32>
        %mul3A_128 = arith.constant 16 : i32
        %mul3A_129 = vector.broadcast %mul3A_128 : i32 to vector<16xi32>
        %mul3A_130 = arith.muli %and3A_127, %mul3A_129 : vector<16xi32>
        %add3A_131 = arith.addi %mul3A_130, %iota3A : vector<16xi32>
        %gather3A_132 = tpu.vector_load_idx %arg15[%add3A_131] : memref<4096xi32, #tpu.memory_space<vmem>>[vector<16xi32>], vector<16xi32>,
        tpu.vector_store_idx %arg10[%gather3A_132], %gather3A : memref<5376xi32, #tpu.memory_space<vmem>>[vector<16xi32>], vector<16xi32>,
        tpu.vector_store_idx %arg11[%gather3A_132], %gather3A_123 : memref<5376xi32, #tpu.memory_space<vmem>>[vector<16xi32>], vector<16xi32>,
        tpu.vector_store_idx %arg15[%add3A_131], %broadcast_in_dim3A_5 {add = true} : memref<4096xi32, #tpu.memory_space<vmem>>[vector<16xi32>], vector<16xi32>,
      }
      %scan3A_107 = arith.constant 336 : i32
      %scan3A_108 = arith.constant 0 : i32
      %scan3A_109 = arith.constant 63 : i32
      %scan3A_110 = arith.addi %scan3A_108, %scan3A_109 : i32
      %scan3A_111 = arith.constant 1 : i32
      scf.for %scan3A_113 = %scan3A_108 to %scan3A_110 step %scan3A_111  : i32 {
        %mul3A_114 = arith.constant 1 : i32
        %mul3A_115 = arith.muli %scan3A_113, %mul3A_114 : i32
        %add3A_116 = arith.constant 0 : i32
        %add3A_117 = arith.addi %add3A_116, %mul3A_115 : i32
        %mul3A_118 = arith.constant 16 : i32
        %mul3A_119 = arith.muli %add3A_117, %mul3A_118 : i32
        %get3A = arith.index_cast %mul3A_119 : i32 to index
        %get3A_120 = tpu.vector_load %arg10[%get3A] {strides = array<i32>} : memref<5376xi32, #tpu.memory_space<vmem>>, vector<16xi32>,
        %mul3A_121 = arith.constant 16 : i32
        %mul3A_122 = arith.muli %add3A_117, %mul3A_121 : i32
        %get3A_123 = arith.index_cast %mul3A_122 : i32 to index
        %get3A_124 = tpu.vector_load %arg11[%get3A_123] {strides = array<i32>} : memref<5376xi32, #tpu.memory_space<vmem>>, vector<16xi32>,
        %mul3A_125 = arith.constant 16 : i32
        %mul3A_126 = arith.muli %add3A_117, %mul3A_125 : i32
        %add3A_127 = vector.broadcast %mul3A_126 : i32 to vector<16xi32>
        %add3A_128 = arith.addi %add3A_127, %iota3A : vector<16xi32>
        %shift_right_arithmetic3A = arith.constant 7 : i32
        %shift_right_arithmetic3A_129 = vector.broadcast %shift_right_arithmetic3A : i32 to vector<16xi32>
        %shift_right_arithmetic3A_130 = arith.shrsi %add3A_128, %shift_right_arithmetic3A_129 : vector<16xi32>
        %and3A = arith.constant 127 : i32
        %and3A_131 = vector.broadcast %and3A : i32 to vector<16xi32>
        %and3A_132 = arith.andi %add3A_128, %and3A_131 : vector<16xi32>
        %not3A = arith.constant dense<-1> : vector<16xi32>
        %not3A_133 = arith.xori %get3A_120, %not3A : vector<16xi32>
        %bitcast3A = vector.bitcast %not3A_133 : vector<16xi32> to vector<16xf32>
        tpu.vector_store_idx %arg18[%shift_right_arithmetic3A_130, %and3A_132], %bitcast3A : memref<8x128xf32, #tpu.memory_space<vmem>>[vector<16xi32>, vector<16xi32>], vector<16xf32>,
        %lt3A_134 = arith.constant 4096 : i32
        %lt3A_135 = vector.broadcast %lt3A_134 : i32 to vector<16xi32>
        %lt3A_136 = arith.cmpi slt, %get3A_124, %lt3A_135 : vector<16xi32>
        %lt3A_137 = arith.constant 5120 : i32
        %lt3A_138 = vector.broadcast %lt3A_137 : i32 to vector<16xi32>
        %lt3A_139 = arith.cmpi slt, %get3A_124, %lt3A_138 : vector<16xi32>
        %min3A = arith.constant 4095 : i32
        %min3A_140 = vector.broadcast %min3A : i32 to vector<16xi32>
        %min3A_141 = arith.minsi %get3A_124, %min3A_140 : vector<16xi32>
        %sub3A = arith.constant 4096 : i32
        %sub3A_142 = vector.broadcast %sub3A : i32 to vector<16xi32>
        %sub3A_143 = arith.subi %get3A_124, %sub3A_142 : vector<16xi32>
        %jit3A = arith.constant 0 : i32
        %jit3A_144 = arith.constant 1023 : i32
        %max3A = vector.broadcast %jit3A : i32 to vector<16xi32>
        %max3A_145 = arith.maxsi %max3A, %sub3A_143 : vector<16xi32>
        %min3A_146 = vector.broadcast %jit3A_144 : i32 to vector<16xi32>
        %min3A_147 = arith.minsi %min3A_146, %max3A_145 : vector<16xi32>
        %sub3A_148 = arith.constant 4096 : i32
        %sub3A_149 = vector.broadcast %sub3A_148 : i32 to vector<16xi32>
        %sub3A_150 = arith.subi %get3A_124, %sub3A_149 : vector<16xi32>
        %sub3A_151 = arith.constant 1024 : i32
        %sub3A_152 = vector.broadcast %sub3A_151 : i32 to vector<16xi32>
        %sub3A_153 = arith.subi %sub3A_150, %sub3A_152 : vector<16xi32>
        %jit3A_154 = arith.constant 0 : i32
        %jit3A_155 = arith.constant 255 : i32
        %max3A_156 = vector.broadcast %jit3A_154 : i32 to vector<16xi32>
        %max3A_157 = arith.maxsi %max3A_156, %sub3A_153 : vector<16xi32>
        %min3A_158 = vector.broadcast %jit3A_155 : i32 to vector<16xi32>
        %min3A_159 = arith.minsi %min3A_158, %max3A_157 : vector<16xi32>
        %broadcast_in_dim3A_160 = arith.constant 1 : i32
        %broadcast_in_dim3A_161 = vector.broadcast %broadcast_in_dim3A_160 : i32 to vector<16xi32>
        %gather3A = tpu.vector_load_idx %arg7[%broadcast_in_dim3A_161, %min3A_141] : memref<8x4096xf32, #tpu.memory_space<vmem>>[vector<16xi32>, vector<16xi32>], vector<16xf32>,
        %gather3A_162 = tpu.vector_load_idx %arg8[%broadcast_in_dim3A_161, %min3A_147] : memref<8x1024xf32, #tpu.memory_space<vmem>>[vector<16xi32>, vector<16xi32>], vector<16xf32>,
        %shift_right_arithmetic3A_163 = arith.constant 6 : i32
        %shift_right_arithmetic3A_164 = vector.broadcast %shift_right_arithmetic3A_163 : i32 to vector<16xi32>
        %shift_right_arithmetic3A_165 = arith.shrsi %min3A_159, %shift_right_arithmetic3A_164 : vector<16xi32>
        %and3A_166 = arith.constant 63 : i32
        %and3A_167 = vector.broadcast %and3A_166 : i32 to vector<16xi32>
        %and3A_168 = arith.andi %min3A_159, %and3A_167 : vector<16xi32>
        %gather3A_169 = tpu.vector_load_idx %arg9[%shift_right_arithmetic3A_165, %broadcast_in_dim3A_161, %and3A_168] : memref<4x8x64xf32, #tpu.memory_space<vmem>>[vector<16xi32>, vector<16xi32>, vector<16xi32>], vector<16xf32>,
        %select_n3A = arith.select %lt3A_139, %gather3A_162, %gather3A_169 : vector<16xi1>, vector<16xf32>
        %select_n3A_170 = arith.select %lt3A_136, %gather3A, %select_n3A : vector<16xi1>, vector<16xf32>
        %mul3A_171 = arith.constant 4 : i32
        %mul3A_172 = vector.broadcast %mul3A_171 : i32 to vector<16xi32>
        %mul3A_173 = arith.muli %add3A_128, %mul3A_172 : vector<16xi32>
        %add3A_174 = arith.constant 0 : i32
        %add3A_175 = vector.broadcast %add3A_174 : i32 to vector<16xi32>
        %add3A_176 = arith.addi %mul3A_173, %add3A_175 : vector<16xi32>
        %shift_right_arithmetic3A_177 = arith.constant 7 : i32
        %shift_right_arithmetic3A_178 = vector.broadcast %shift_right_arithmetic3A_177 : i32 to vector<16xi32>
        %shift_right_arithmetic3A_179 = arith.shrsi %add3A_176, %shift_right_arithmetic3A_178 : vector<16xi32>
        %and3A_180 = arith.constant 127 : i32
        %and3A_181 = vector.broadcast %and3A_180 : i32 to vector<16xi32>
        %and3A_182 = arith.andi %add3A_176, %and3A_181 : vector<16xi32>
        tpu.vector_store_idx %arg17[%shift_right_arithmetic3A_179, %and3A_182], %select_n3A_170 : memref<32x128xf32, #tpu.memory_space<vmem>>[vector<16xi32>, vector<16xi32>], vector<16xf32>,
        %broadcast_in_dim3A_183 = arith.constant 2 : i32
        %broadcast_in_dim3A_184 = vector.broadcast %broadcast_in_dim3A_183 : i32 to vector<16xi32>
        %gather3A_185 = tpu.vector_load_idx %arg7[%broadcast_in_dim3A_184, %min3A_141] : memref<8x4096xf32, #tpu.memory_space<vmem>>[vector<16xi32>, vector<16xi32>], vector<16xf32>,
        %gather3A_186 = tpu.vector_load_idx %arg8[%broadcast_in_dim3A_184, %min3A_147] : memref<8x1024xf32, #tpu.memory_space<vmem>>[vector<16xi32>, vector<16xi32>], vector<16xf32>,
        %shift_right_arithmetic3A_187 = arith.constant 6 : i32
        %shift_right_arithmetic3A_188 = vector.broadcast %shift_right_arithmetic3A_187 : i32 to vector<16xi32>
        %shift_right_arithmetic3A_189 = arith.shrsi %min3A_159, %shift_right_arithmetic3A_188 : vector<16xi32>
        %and3A_190 = arith.constant 63 : i32
        %and3A_191 = vector.broadcast %and3A_190 : i32 to vector<16xi32>
        %and3A_192 = arith.andi %min3A_159, %and3A_191 : vector<16xi32>
        %gather3A_193 = tpu.vector_load_idx %arg9[%shift_right_arithmetic3A_189, %broadcast_in_dim3A_184, %and3A_192] : memref<4x8x64xf32, #tpu.memory_space<vmem>>[vector<16xi32>, vector<16xi32>, vector<16xi32>], vector<16xf32>,
        %select_n3A_194 = arith.select %lt3A_139, %gather3A_186, %gather3A_193 : vector<16xi1>, vector<16xf32>
        %select_n3A_195 = arith.select %lt3A_136, %gather3A_185, %select_n3A_194 : vector<16xi1>, vector<16xf32>
        %mul3A_196 = arith.constant 4 : i32
        %mul3A_197 = vector.broadcast %mul3A_196 : i32 to vector<16xi32>
        %mul3A_198 = arith.muli %add3A_128, %mul3A_197 : vector<16xi32>
        %add3A_199 = arith.constant 1 : i32
        %add3A_200 = vector.broadcast %add3A_199 : i32 to vector<16xi32>
        %add3A_201 = arith.addi %mul3A_198, %add3A_200 : vector<16xi32>
        %shift_right_arithmetic3A_202 = arith.constant 7 : i32
        %shift_right_arithmetic3A_203 = vector.broadcast %shift_right_arithmetic3A_202 : i32 to vector<16xi32>
        %shift_right_arithmetic3A_204 = arith.shrsi %add3A_201, %shift_right_arithmetic3A_203 : vector<16xi32>
        %and3A_205 = arith.constant 127 : i32
        %and3A_206 = vector.broadcast %and3A_205 : i32 to vector<16xi32>
        %and3A_207 = arith.andi %add3A_201, %and3A_206 : vector<16xi32>
        tpu.vector_store_idx %arg17[%shift_right_arithmetic3A_204, %and3A_207], %select_n3A_195 : memref<32x128xf32, #tpu.memory_space<vmem>>[vector<16xi32>, vector<16xi32>], vector<16xf32>,
        %broadcast_in_dim3A_208 = arith.constant 3 : i32
        %broadcast_in_dim3A_209 = vector.broadcast %broadcast_in_dim3A_208 : i32 to vector<16xi32>
        %gather3A_210 = tpu.vector_load_idx %arg7[%broadcast_in_dim3A_209, %min3A_141] : memref<8x4096xf32, #tpu.memory_space<vmem>>[vector<16xi32>, vector<16xi32>], vector<16xf32>,
        %gather3A_211 = tpu.vector_load_idx %arg8[%broadcast_in_dim3A_209, %min3A_147] : memref<8x1024xf32, #tpu.memory_space<vmem>>[vector<16xi32>, vector<16xi32>], vector<16xf32>,
        %shift_right_arithmetic3A_212 = arith.constant 6 : i32
        %shift_right_arithmetic3A_213 = vector.broadcast %shift_right_arithmetic3A_212 : i32 to vector<16xi32>
        %shift_right_arithmetic3A_214 = arith.shrsi %min3A_159, %shift_right_arithmetic3A_213 : vector<16xi32>
        %and3A_215 = arith.constant 63 : i32
        %and3A_216 = vector.broadcast %and3A_215 : i32 to vector<16xi32>
        %and3A_217 = arith.andi %min3A_159, %and3A_216 : vector<16xi32>
        %gather3A_218 = tpu.vector_load_idx %arg9[%shift_right_arithmetic3A_214, %broadcast_in_dim3A_209, %and3A_217] : memref<4x8x64xf32, #tpu.memory_space<vmem>>[vector<16xi32>, vector<16xi32>, vector<16xi32>], vector<16xf32>,
        %select_n3A_219 = arith.select %lt3A_139, %gather3A_211, %gather3A_218 : vector<16xi1>, vector<16xf32>
        %select_n3A_220 = arith.select %lt3A_136, %gather3A_210, %select_n3A_219 : vector<16xi1>, vector<16xf32>
        %mul3A_221 = arith.constant 4 : i32
        %mul3A_222 = vector.broadcast %mul3A_221 : i32 to vector<16xi32>
        %mul3A_223 = arith.muli %add3A_128, %mul3A_222 : vector<16xi32>
        %add3A_224 = arith.constant 2 : i32
        %add3A_225 = vector.broadcast %add3A_224 : i32 to vector<16xi32>
        %add3A_226 = arith.addi %mul3A_223, %add3A_225 : vector<16xi32>
        %shift_right_arithmetic3A_227 = arith.constant 7 : i32
        %shift_right_arithmetic3A_228 = vector.broadcast %shift_right_arithmetic3A_227 : i32 to vector<16xi32>
        %shift_right_arithmetic3A_229 = arith.shrsi %add3A_226, %shift_right_arithmetic3A_228 : vector<16xi32>
        %and3A_230 = arith.constant 127 : i32
        %and3A_231 = vector.broadcast %and3A_230 : i32 to vector<16xi32>
        %and3A_232 = arith.andi %add3A_226, %and3A_231 : vector<16xi32>
        tpu.vector_store_idx %arg17[%shift_right_arithmetic3A_229, %and3A_232], %select_n3A_220 : memref<32x128xf32, #tpu.memory_space<vmem>>[vector<16xi32>, vector<16xi32>], vector<16xf32>,
        %broadcast_in_dim3A_233 = arith.constant 4 : i32
        %broadcast_in_dim3A_234 = vector.broadcast %broadcast_in_dim3A_233 : i32 to vector<16xi32>
        %gather3A_235 = tpu.vector_load_idx %arg7[%broadcast_in_dim3A_234, %min3A_141] : memref<8x4096xf32, #tpu.memory_space<vmem>>[vector<16xi32>, vector<16xi32>], vector<16xf32>,
        %gather3A_236 = tpu.vector_load_idx %arg8[%broadcast_in_dim3A_234, %min3A_147] : memref<8x1024xf32, #tpu.memory_space<vmem>>[vector<16xi32>, vector<16xi32>], vector<16xf32>,
        %shift_right_arithmetic3A_237 = arith.constant 6 : i32
        %shift_right_arithmetic3A_238 = vector.broadcast %shift_right_arithmetic3A_237 : i32 to vector<16xi32>
        %shift_right_arithmetic3A_239 = arith.shrsi %min3A_159, %shift_right_arithmetic3A_238 : vector<16xi32>
        %and3A_240 = arith.constant 63 : i32
        %and3A_241 = vector.broadcast %and3A_240 : i32 to vector<16xi32>
        %and3A_242 = arith.andi %min3A_159, %and3A_241 : vector<16xi32>
        %gather3A_243 = tpu.vector_load_idx %arg9[%shift_right_arithmetic3A_239, %broadcast_in_dim3A_234, %and3A_242] : memref<4x8x64xf32, #tpu.memory_space<vmem>>[vector<16xi32>, vector<16xi32>, vector<16xi32>], vector<16xf32>,
        %select_n3A_244 = arith.select %lt3A_139, %gather3A_236, %gather3A_243 : vector<16xi1>, vector<16xf32>
        %select_n3A_245 = arith.select %lt3A_136, %gather3A_235, %select_n3A_244 : vector<16xi1>, vector<16xf32>
        %mul3A_246 = arith.constant 4 : i32
        %mul3A_247 = vector.broadcast %mul3A_246 : i32 to vector<16xi32>
        %mul3A_248 = arith.muli %add3A_128, %mul3A_247 : vector<16xi32>
        %add3A_249 = arith.constant 3 : i32
        %add3A_250 = vector.broadcast %add3A_249 : i32 to vector<16xi32>
        %add3A_251 = arith.addi %mul3A_248, %add3A_250 : vector<16xi32>
        %shift_right_arithmetic3A_252 = arith.constant 7 : i32
        %shift_right_arithmetic3A_253 = vector.broadcast %shift_right_arithmetic3A_252 : i32 to vector<16xi32>
        %shift_right_arithmetic3A_254 = arith.shrsi %add3A_251, %shift_right_arithmetic3A_253 : vector<16xi32>
        %and3A_255 = arith.constant 127 : i32
        %and3A_256 = vector.broadcast %and3A_255 : i32 to vector<16xi32>
        %and3A_257 = arith.andi %add3A_251, %and3A_256 : vector<16xi32>
        tpu.vector_store_idx %arg17[%shift_right_arithmetic3A_254, %and3A_257], %select_n3A_245 : memref<32x128xf32, #tpu.memory_space<vmem>>[vector<16xi32>, vector<16xi32>], vector<16xf32>,
      }
      %scan3A_112 = arith.constant 63 : i32
      "tpu.region"() ({
        %run_scoped3A = tpu.sem_alloc : memref<!tpu.dma_semaphore, #tpu.memory_space<semaphore_mem>>
        %dma_start3A = arith.constant 0 : i32
        %dma_start3A_113 = arith.constant 0 : i32
        %dma_start3A_114 = tpu.memref_slice %arg5[%add3A, %dma_start3A, %dma_start3A_113] : memref<8x32x128xf32, #tpu.memory_space<hbm>> -> memref<1x32x128xf32, #tpu.memory_space<hbm>>
        %dma_start3A_115 = tpu.memref_squeeze %dma_start3A_114 : memref<1x32x128xf32, #tpu.memory_space<hbm>> -> memref<32x128xf32, #tpu.memory_space<hbm>>
        %dma_start3A_116 = arith.constant 0 : i32
        %dma_start3A_117 = arith.constant 0 : i32
        %dma_start3A_118 = tpu.memref_slice %arg5[%add3A, %dma_start3A_116, %dma_start3A_117] : memref<8x32x128xf32, #tpu.memory_space<hbm>> -> memref<1x32x128xf32, #tpu.memory_space<hbm>>
        %dma_start3A_119 = tpu.memref_squeeze %dma_start3A_118 : memref<1x32x128xf32, #tpu.memory_space<hbm>> -> memref<32x128xf32, #tpu.memory_space<hbm>>
        tpu.enqueue_dma source(%arg17 : memref<32x128xf32, #tpu.memory_space<vmem>>) target(%dma_start3A_119 : memref<32x128xf32, #tpu.memory_space<hbm>>) target_semaphore(%run_scoped3A : memref<!tpu.dma_semaphore, #tpu.memory_space<semaphore_mem>>)
        %dma_wait3A = arith.constant 0 : i32
        %dma_wait3A_120 = arith.constant 0 : i32
        %dma_wait3A_121 = tpu.memref_slice %arg5[%add3A, %dma_wait3A, %dma_wait3A_120] : memref<8x32x128xf32, #tpu.memory_space<hbm>> -> memref<1x32x128xf32, #tpu.memory_space<hbm>>
        %dma_wait3A_122 = tpu.memref_squeeze %dma_wait3A_121 : memref<1x32x128xf32, #tpu.memory_space<hbm>> -> memref<32x128xf32, #tpu.memory_space<hbm>>
        %dma_wait3A_123 = arith.constant 0 : i32
        %dma_wait3A_124 = arith.constant 0 : i32
        %dma_wait3A_125 = tpu.memref_slice %arg5[%add3A, %dma_wait3A_123, %dma_wait3A_124] : memref<8x32x128xf32, #tpu.memory_space<hbm>> -> memref<1x32x128xf32, #tpu.memory_space<hbm>>
        %dma_wait3A_126 = tpu.memref_squeeze %dma_wait3A_125 : memref<1x32x128xf32, #tpu.memory_space<hbm>> -> memref<32x128xf32, #tpu.memory_space<hbm>>
        tpu.wait_dma2 semaphore(%run_scoped3A : memref<!tpu.dma_semaphore, #tpu.memory_space<semaphore_mem>>) src(%arg17 : memref<32x128xf32, #tpu.memory_space<vmem>>) dst(%dma_wait3A_126 : memref<32x128xf32, #tpu.memory_space<hbm>>)
        tpu.yield
      }) : () -> ()
      "tpu.region"() ({
        %run_scoped3A = tpu.sem_alloc : memref<!tpu.dma_semaphore, #tpu.memory_space<semaphore_mem>>
        %dma_start3A = arith.constant 0 : i32
        %dma_start3A_113 = arith.constant 0 : i32
        %dma_start3A_114 = tpu.memref_slice %arg6[%add3A, %dma_start3A, %dma_start3A_113] : memref<8x8x128xf32, #tpu.memory_space<hbm>> -> memref<1x8x128xf32, #tpu.memory_space<hbm>>
        %dma_start3A_115 = tpu.memref_squeeze %dma_start3A_114 : memref<1x8x128xf32, #tpu.memory_space<hbm>> -> memref<8x128xf32, #tpu.memory_space<hbm>>
        %dma_start3A_116 = arith.constant 0 : i32
        %dma_start3A_117 = arith.constant 0 : i32
        %dma_start3A_118 = tpu.memref_slice %arg6[%add3A, %dma_start3A_116, %dma_start3A_117] : memref<8x8x128xf32, #tpu.memory_space<hbm>> -> memref<1x8x128xf32, #tpu.memory_space<hbm>>
        %dma_start3A_119 = tpu.memref_squeeze %dma_start3A_118 : memref<1x8x128xf32, #tpu.memory_space<hbm>> -> memref<8x128xf32, #tpu.memory_space<hbm>>
        tpu.enqueue_dma source(%arg18 : memref<8x128xf32, #tpu.memory_space<vmem>>) target(%dma_start3A_119 : memref<8x128xf32, #tpu.memory_space<hbm>>) target_semaphore(%run_scoped3A : memref<!tpu.dma_semaphore, #tpu.memory_space<semaphore_mem>>)
        %dma_wait3A = arith.constant 0 : i32
        %dma_wait3A_120 = arith.constant 0 : i32
        %dma_wait3A_121 = tpu.memref_slice %arg6[%add3A, %dma_wait3A, %dma_wait3A_120] : memref<8x8x128xf32, #tpu.memory_space<hbm>> -> memref<1x8x128xf32, #tpu.memory_space<hbm>>
        %dma_wait3A_122 = tpu.memref_squeeze %dma_wait3A_121 : memref<1x8x128xf32, #tpu.memory_space<hbm>> -> memref<8x128xf32, #tpu.memory_space<hbm>>
        %dma_wait3A_123 = arith.constant 0 : i32
        %dma_wait3A_124 = arith.constant 0 : i32
        %dma_wait3A_125 = tpu.memref_slice %arg6[%add3A, %dma_wait3A_123, %dma_wait3A_124] : memref<8x8x128xf32, #tpu.memory_space<hbm>> -> memref<1x8x128xf32, #tpu.memory_space<hbm>>
        %dma_wait3A_126 = tpu.memref_squeeze %dma_wait3A_125 : memref<1x8x128xf32, #tpu.memory_space<hbm>> -> memref<8x128xf32, #tpu.memory_space<hbm>>
        tpu.wait_dma2 semaphore(%run_scoped3A : memref<!tpu.dma_semaphore, #tpu.memory_space<semaphore_mem>>) src(%arg18 : memref<8x128xf32, #tpu.memory_space<vmem>>) dst(%dma_wait3A_126 : memref<8x128xf32, #tpu.memory_space<hbm>>)
        tpu.yield
      }) : () -> ()
    } else {
    }
    return
  }
}

module attributes {stable_mosaic.version = 14 : i64} {
  func.func @_tc_body(%arg0: i32, %arg1: i32, %arg2: memref<1x3x128x512xf32, #tpu.memory_space<vmem>>, %arg3: memref<192x8xf32, #tpu.memory_space<vmem>>, %arg4: memref<768x8xf32, #tpu.memory_space<vmem>>, %arg5: memref<3072x8xf32, #tpu.memory_space<vmem>>, %arg6: memref<512x512xf32, #tpu.memory_space<vmem>>, %arg7: memref<512x512xf32, #tpu.memory_space<vmem>>, %arg8: memref<512x512xf32, #tpu.memory_space<vmem>>, %arg9: memref<8x1024xf32, #tpu.memory_space<vmem>>, %arg10: memref<8x256xf32, #tpu.memory_space<vmem>>, %arg11: memref<1x8x64xf32, #tpu.memory_space<vmem>>, %arg12: memref<8x1xf32, #tpu.memory_space<vmem>>, %arg13: memref<8x1xf32, #tpu.memory_space<vmem>>, %arg14: memref<1x8x1024xf32, #tpu.memory_space<vmem>>, %arg15: memref<1x8x256xf32, #tpu.memory_space<vmem>>, %arg16: memref<1x1x8x64xf32, #tpu.memory_space<vmem>>) attributes {dimension_semantics = [#tpu.dimension_semantics<arbitrary>, #tpu.dimension_semantics<arbitrary>], iteration_bounds = array<i64: 8, 4>, scalar_prefetch = 0 : i64, scratch_operands = 0 : i64, tpu.core_type = #tpu.core_type<tc>, window_params = [{transform_indices = @transform_0, window_bounds = array<i64: 1, 3, 128, 512>}, {pipeline_mode = #tpu.pipeline_mode<synchronous>, transform_indices = @transform_1, window_bounds = array<i64: 192, 8>}, {pipeline_mode = #tpu.pipeline_mode<synchronous>, transform_indices = @transform_2, window_bounds = array<i64: 768, 8>}, {pipeline_mode = #tpu.pipeline_mode<synchronous>, transform_indices = @transform_3, window_bounds = array<i64: 3072, 8>}, {pipeline_mode = #tpu.pipeline_mode<synchronous>, transform_indices = @transform_4, window_bounds = array<i64: 512, 512>}, {pipeline_mode = #tpu.pipeline_mode<synchronous>, transform_indices = @transform_5, window_bounds = array<i64: 512, 512>}, {pipeline_mode = #tpu.pipeline_mode<synchronous>, transform_indices = @transform_6, window_bounds = array<i64: 512, 512>}, {transform_indices = @transform_7, window_bounds = array<i64: 8, 1024>}, {transform_indices = @transform_8, window_bounds = array<i64: 8, 256>}, {transform_indices = @transform_9, window_bounds = array<i64: 1, 8, 64>}, {pipeline_mode = #tpu.pipeline_mode<synchronous>, transform_indices = @transform_10, window_bounds = array<i64: 8, 1>}, {pipeline_mode = #tpu.pipeline_mode<synchronous>, transform_indices = @transform_11, window_bounds = array<i64: 8, 1>}, {transform_indices = @transform_12, window_bounds = array<i64: 1, 8, 1024>}, {transform_indices = @transform_13, window_bounds = array<i64: 1, 8, 256>}, {transform_indices = @transform_14, window_bounds = array<i64: 1, 1, 8, 64>}]} {
    %get3A = arith.constant 0 : index
    %get3A_0 = arith.constant 0 : index
    %get3A_1 = arith.constant 0 : index
    %get3A_2 = arith.constant 0 : index
    %get3A_3 = vector.load %arg2[%get3A, %get3A_0, %get3A_1, %get3A_2] : memref<1x3x128x512xf32, #tpu.memory_space<vmem>>, vector<1x3x128x512xf32>
    %get3A_4 = vector.shape_cast %get3A_3 : vector<1x3x128x512xf32> to vector<3x128x512xf32>
    %reshape3A = vector.shape_cast %get3A_4 : vector<3x128x512xf32> to vector<384x512xf32>
    %get3A_5 = arith.constant 0 : index
    %get3A_6 = arith.constant 0 : index
    %get3A_7 = vector.load %arg6[%get3A_5, %get3A_6] : memref<512x512xf32, #tpu.memory_space<vmem>>, vector<512x512xf32>
    %dot_general3A = arith.constant dense<0.000000e+00> : vector<384x512xf32>
    %dot_general3A_8 = tpu.matmul %reshape3A, %get3A_7, %dot_general3A {dimension_numbers = #tpu.dot_dimension_numbers<[1], [0], [0], [1], [0, 0, 1, 1], [], []>, transpose_lhs_hint = false} : vector<384x512xf32>, vector<512x512xf32>, vector<384x512xf32> -> vector<384x512xf32>
    %reshape3A_9 = vector.shape_cast %dot_general3A_8 : vector<384x512xf32> to vector<3x16x8x8x64xf32>
    %transpose3A = tpu.transpose %reshape3A_9, [1, 0, 2, 3, 4] : vector<3x16x8x8x64xf32> -> vector<16x3x8x8x64xf32>
    %reshape3A_10 = vector.shape_cast %transpose3A : vector<16x3x8x8x64xf32> to vector<16x192x64xf32>
    %get3A_11 = arith.constant 0 : index
    %get3A_12 = arith.constant 0 : index
    %get3A_13 = vector.load %arg3[%get3A_11, %get3A_12] : memref<192x8xf32, #tpu.memory_space<vmem>>, vector<192x8xf32>
    %slice3A = vector.extract_strided_slice %reshape3A_10 {offsets = [0, 0, 0], sizes = [1, 192, 64], strides = [1, 1, 1]} : vector<16x192x64xf32> to vector<1x192x64xf32>
    %squeeze3A = vector.shape_cast %slice3A : vector<1x192x64xf32> to vector<192x64xf32>
    %dot_general3A_14 = arith.constant dense<0.000000e+00> : vector<8x64xf32>
    %dot_general3A_15 = tpu.matmul %get3A_13, %squeeze3A, %dot_general3A_14 {dimension_numbers = #tpu.dot_dimension_numbers<[0], [0], [1], [1], [0, 1, 1, 1], [], []>, transpose_lhs_hint = false} : vector<192x8xf32>, vector<192x64xf32>, vector<8x64xf32> -> vector<8x64xf32>
    %get3A_16 = arith.constant 0 : index
    %get3A_17 = arith.constant 0 : index
    %get3A_18 = vector.load %arg3[%get3A_16, %get3A_17] : memref<192x8xf32, #tpu.memory_space<vmem>>, vector<192x8xf32>
    %slice3A_19 = vector.extract_strided_slice %reshape3A_10 {offsets = [1, 0, 0], sizes = [1, 192, 64], strides = [1, 1, 1]} : vector<16x192x64xf32> to vector<1x192x64xf32>
    %squeeze3A_20 = vector.shape_cast %slice3A_19 : vector<1x192x64xf32> to vector<192x64xf32>
    %dot_general3A_21 = arith.constant dense<0.000000e+00> : vector<8x64xf32>
    %dot_general3A_22 = tpu.matmul %get3A_18, %squeeze3A_20, %dot_general3A_21 {dimension_numbers = #tpu.dot_dimension_numbers<[0], [0], [1], [1], [0, 1, 1, 1], [], []>, transpose_lhs_hint = false} : vector<192x8xf32>, vector<192x64xf32>, vector<8x64xf32> -> vector<8x64xf32>
    %get3A_23 = arith.constant 0 : index
    %get3A_24 = arith.constant 0 : index
    %get3A_25 = vector.load %arg3[%get3A_23, %get3A_24] : memref<192x8xf32, #tpu.memory_space<vmem>>, vector<192x8xf32>
    %slice3A_26 = vector.extract_strided_slice %reshape3A_10 {offsets = [2, 0, 0], sizes = [1, 192, 64], strides = [1, 1, 1]} : vector<16x192x64xf32> to vector<1x192x64xf32>
    %squeeze3A_27 = vector.shape_cast %slice3A_26 : vector<1x192x64xf32> to vector<192x64xf32>
    %dot_general3A_28 = arith.constant dense<0.000000e+00> : vector<8x64xf32>
    %dot_general3A_29 = tpu.matmul %get3A_25, %squeeze3A_27, %dot_general3A_28 {dimension_numbers = #tpu.dot_dimension_numbers<[0], [0], [1], [1], [0, 1, 1, 1], [], []>, transpose_lhs_hint = false} : vector<192x8xf32>, vector<192x64xf32>, vector<8x64xf32> -> vector<8x64xf32>
    %get3A_30 = arith.constant 0 : index
    %get3A_31 = arith.constant 0 : index
    %get3A_32 = vector.load %arg3[%get3A_30, %get3A_31] : memref<192x8xf32, #tpu.memory_space<vmem>>, vector<192x8xf32>
    %slice3A_33 = vector.extract_strided_slice %reshape3A_10 {offsets = [3, 0, 0], sizes = [1, 192, 64], strides = [1, 1, 1]} : vector<16x192x64xf32> to vector<1x192x64xf32>
    %squeeze3A_34 = vector.shape_cast %slice3A_33 : vector<1x192x64xf32> to vector<192x64xf32>
    %dot_general3A_35 = arith.constant dense<0.000000e+00> : vector<8x64xf32>
    %dot_general3A_36 = tpu.matmul %get3A_32, %squeeze3A_34, %dot_general3A_35 {dimension_numbers = #tpu.dot_dimension_numbers<[0], [0], [1], [1], [0, 1, 1, 1], [], []>, transpose_lhs_hint = false} : vector<192x8xf32>, vector<192x64xf32>, vector<8x64xf32> -> vector<8x64xf32>
    %get3A_37 = arith.constant 0 : index
    %get3A_38 = arith.constant 0 : index
    %get3A_39 = vector.load %arg3[%get3A_37, %get3A_38] : memref<192x8xf32, #tpu.memory_space<vmem>>, vector<192x8xf32>
    %slice3A_40 = vector.extract_strided_slice %reshape3A_10 {offsets = [4, 0, 0], sizes = [1, 192, 64], strides = [1, 1, 1]} : vector<16x192x64xf32> to vector<1x192x64xf32>
    %squeeze3A_41 = vector.shape_cast %slice3A_40 : vector<1x192x64xf32> to vector<192x64xf32>
    %dot_general3A_42 = arith.constant dense<0.000000e+00> : vector<8x64xf32>
    %dot_general3A_43 = tpu.matmul %get3A_39, %squeeze3A_41, %dot_general3A_42 {dimension_numbers = #tpu.dot_dimension_numbers<[0], [0], [1], [1], [0, 1, 1, 1], [], []>, transpose_lhs_hint = false} : vector<192x8xf32>, vector<192x64xf32>, vector<8x64xf32> -> vector<8x64xf32>
    %get3A_44 = arith.constant 0 : index
    %get3A_45 = arith.constant 0 : index
    %get3A_46 = vector.load %arg3[%get3A_44, %get3A_45] : memref<192x8xf32, #tpu.memory_space<vmem>>, vector<192x8xf32>
    %slice3A_47 = vector.extract_strided_slice %reshape3A_10 {offsets = [5, 0, 0], sizes = [1, 192, 64], strides = [1, 1, 1]} : vector<16x192x64xf32> to vector<1x192x64xf32>
    %squeeze3A_48 = vector.shape_cast %slice3A_47 : vector<1x192x64xf32> to vector<192x64xf32>
    %dot_general3A_49 = arith.constant dense<0.000000e+00> : vector<8x64xf32>
    %dot_general3A_50 = tpu.matmul %get3A_46, %squeeze3A_48, %dot_general3A_49 {dimension_numbers = #tpu.dot_dimension_numbers<[0], [0], [1], [1], [0, 1, 1, 1], [], []>, transpose_lhs_hint = false} : vector<192x8xf32>, vector<192x64xf32>, vector<8x64xf32> -> vector<8x64xf32>
    %get3A_51 = arith.constant 0 : index
    %get3A_52 = arith.constant 0 : index
    %get3A_53 = vector.load %arg3[%get3A_51, %get3A_52] : memref<192x8xf32, #tpu.memory_space<vmem>>, vector<192x8xf32>
    %slice3A_54 = vector.extract_strided_slice %reshape3A_10 {offsets = [6, 0, 0], sizes = [1, 192, 64], strides = [1, 1, 1]} : vector<16x192x64xf32> to vector<1x192x64xf32>
    %squeeze3A_55 = vector.shape_cast %slice3A_54 : vector<1x192x64xf32> to vector<192x64xf32>
    %dot_general3A_56 = arith.constant dense<0.000000e+00> : vector<8x64xf32>
    %dot_general3A_57 = tpu.matmul %get3A_53, %squeeze3A_55, %dot_general3A_56 {dimension_numbers = #tpu.dot_dimension_numbers<[0], [0], [1], [1], [0, 1, 1, 1], [], []>, transpose_lhs_hint = false} : vector<192x8xf32>, vector<192x64xf32>, vector<8x64xf32> -> vector<8x64xf32>
    %get3A_58 = arith.constant 0 : index
    %get3A_59 = arith.constant 0 : index
    %get3A_60 = vector.load %arg3[%get3A_58, %get3A_59] : memref<192x8xf32, #tpu.memory_space<vmem>>, vector<192x8xf32>
    %slice3A_61 = vector.extract_strided_slice %reshape3A_10 {offsets = [7, 0, 0], sizes = [1, 192, 64], strides = [1, 1, 1]} : vector<16x192x64xf32> to vector<1x192x64xf32>
    %squeeze3A_62 = vector.shape_cast %slice3A_61 : vector<1x192x64xf32> to vector<192x64xf32>
    %dot_general3A_63 = arith.constant dense<0.000000e+00> : vector<8x64xf32>
    %dot_general3A_64 = tpu.matmul %get3A_60, %squeeze3A_62, %dot_general3A_63 {dimension_numbers = #tpu.dot_dimension_numbers<[0], [0], [1], [1], [0, 1, 1, 1], [], []>, transpose_lhs_hint = false} : vector<192x8xf32>, vector<192x64xf32>, vector<8x64xf32> -> vector<8x64xf32>
    %get3A_65 = arith.constant 0 : index
    %get3A_66 = arith.constant 0 : index
    %get3A_67 = vector.load %arg3[%get3A_65, %get3A_66] : memref<192x8xf32, #tpu.memory_space<vmem>>, vector<192x8xf32>
    %slice3A_68 = vector.extract_strided_slice %reshape3A_10 {offsets = [8, 0, 0], sizes = [1, 192, 64], strides = [1, 1, 1]} : vector<16x192x64xf32> to vector<1x192x64xf32>
    %squeeze3A_69 = vector.shape_cast %slice3A_68 : vector<1x192x64xf32> to vector<192x64xf32>
    %dot_general3A_70 = arith.constant dense<0.000000e+00> : vector<8x64xf32>
    %dot_general3A_71 = tpu.matmul %get3A_67, %squeeze3A_69, %dot_general3A_70 {dimension_numbers = #tpu.dot_dimension_numbers<[0], [0], [1], [1], [0, 1, 1, 1], [], []>, transpose_lhs_hint = false} : vector<192x8xf32>, vector<192x64xf32>, vector<8x64xf32> -> vector<8x64xf32>
    %get3A_72 = arith.constant 0 : index
    %get3A_73 = arith.constant 0 : index
    %get3A_74 = vector.load %arg3[%get3A_72, %get3A_73] : memref<192x8xf32, #tpu.memory_space<vmem>>, vector<192x8xf32>
    %slice3A_75 = vector.extract_strided_slice %reshape3A_10 {offsets = [9, 0, 0], sizes = [1, 192, 64], strides = [1, 1, 1]} : vector<16x192x64xf32> to vector<1x192x64xf32>
    %squeeze3A_76 = vector.shape_cast %slice3A_75 : vector<1x192x64xf32> to vector<192x64xf32>
    %dot_general3A_77 = arith.constant dense<0.000000e+00> : vector<8x64xf32>
    %dot_general3A_78 = tpu.matmul %get3A_74, %squeeze3A_76, %dot_general3A_77 {dimension_numbers = #tpu.dot_dimension_numbers<[0], [0], [1], [1], [0, 1, 1, 1], [], []>, transpose_lhs_hint = false} : vector<192x8xf32>, vector<192x64xf32>, vector<8x64xf32> -> vector<8x64xf32>
    %get3A_79 = arith.constant 0 : index
    %get3A_80 = arith.constant 0 : index
    %get3A_81 = vector.load %arg3[%get3A_79, %get3A_80] : memref<192x8xf32, #tpu.memory_space<vmem>>, vector<192x8xf32>
    %slice3A_82 = vector.extract_strided_slice %reshape3A_10 {offsets = [10, 0, 0], sizes = [1, 192, 64], strides = [1, 1, 1]} : vector<16x192x64xf32> to vector<1x192x64xf32>
    %squeeze3A_83 = vector.shape_cast %slice3A_82 : vector<1x192x64xf32> to vector<192x64xf32>
    %dot_general3A_84 = arith.constant dense<0.000000e+00> : vector<8x64xf32>
    %dot_general3A_85 = tpu.matmul %get3A_81, %squeeze3A_83, %dot_general3A_84 {dimension_numbers = #tpu.dot_dimension_numbers<[0], [0], [1], [1], [0, 1, 1, 1], [], []>, transpose_lhs_hint = false} : vector<192x8xf32>, vector<192x64xf32>, vector<8x64xf32> -> vector<8x64xf32>
    %get3A_86 = arith.constant 0 : index
    %get3A_87 = arith.constant 0 : index
    %get3A_88 = vector.load %arg3[%get3A_86, %get3A_87] : memref<192x8xf32, #tpu.memory_space<vmem>>, vector<192x8xf32>
    %slice3A_89 = vector.extract_strided_slice %reshape3A_10 {offsets = [11, 0, 0], sizes = [1, 192, 64], strides = [1, 1, 1]} : vector<16x192x64xf32> to vector<1x192x64xf32>
    %squeeze3A_90 = vector.shape_cast %slice3A_89 : vector<1x192x64xf32> to vector<192x64xf32>
    %dot_general3A_91 = arith.constant dense<0.000000e+00> : vector<8x64xf32>
    %dot_general3A_92 = tpu.matmul %get3A_88, %squeeze3A_90, %dot_general3A_91 {dimension_numbers = #tpu.dot_dimension_numbers<[0], [0], [1], [1], [0, 1, 1, 1], [], []>, transpose_lhs_hint = false} : vector<192x8xf32>, vector<192x64xf32>, vector<8x64xf32> -> vector<8x64xf32>
    %get3A_93 = arith.constant 0 : index
    %get3A_94 = arith.constant 0 : index
    %get3A_95 = vector.load %arg3[%get3A_93, %get3A_94] : memref<192x8xf32, #tpu.memory_space<vmem>>, vector<192x8xf32>
    %slice3A_96 = vector.extract_strided_slice %reshape3A_10 {offsets = [12, 0, 0], sizes = [1, 192, 64], strides = [1, 1, 1]} : vector<16x192x64xf32> to vector<1x192x64xf32>
    %squeeze3A_97 = vector.shape_cast %slice3A_96 : vector<1x192x64xf32> to vector<192x64xf32>
    %dot_general3A_98 = arith.constant dense<0.000000e+00> : vector<8x64xf32>
    %dot_general3A_99 = tpu.matmul %get3A_95, %squeeze3A_97, %dot_general3A_98 {dimension_numbers = #tpu.dot_dimension_numbers<[0], [0], [1], [1], [0, 1, 1, 1], [], []>, transpose_lhs_hint = false} : vector<192x8xf32>, vector<192x64xf32>, vector<8x64xf32> -> vector<8x64xf32>
    %get3A_100 = arith.constant 0 : index
    %get3A_101 = arith.constant 0 : index
    %get3A_102 = vector.load %arg3[%get3A_100, %get3A_101] : memref<192x8xf32, #tpu.memory_space<vmem>>, vector<192x8xf32>
    %slice3A_103 = vector.extract_strided_slice %reshape3A_10 {offsets = [13, 0, 0], sizes = [1, 192, 64], strides = [1, 1, 1]} : vector<16x192x64xf32> to vector<1x192x64xf32>
    %squeeze3A_104 = vector.shape_cast %slice3A_103 : vector<1x192x64xf32> to vector<192x64xf32>
    %dot_general3A_105 = arith.constant dense<0.000000e+00> : vector<8x64xf32>
    %dot_general3A_106 = tpu.matmul %get3A_102, %squeeze3A_104, %dot_general3A_105 {dimension_numbers = #tpu.dot_dimension_numbers<[0], [0], [1], [1], [0, 1, 1, 1], [], []>, transpose_lhs_hint = false} : vector<192x8xf32>, vector<192x64xf32>, vector<8x64xf32> -> vector<8x64xf32>
    %get3A_107 = arith.constant 0 : index
    %get3A_108 = arith.constant 0 : index
    %get3A_109 = vector.load %arg3[%get3A_107, %get3A_108] : memref<192x8xf32, #tpu.memory_space<vmem>>, vector<192x8xf32>
    %slice3A_110 = vector.extract_strided_slice %reshape3A_10 {offsets = [14, 0, 0], sizes = [1, 192, 64], strides = [1, 1, 1]} : vector<16x192x64xf32> to vector<1x192x64xf32>
    %squeeze3A_111 = vector.shape_cast %slice3A_110 : vector<1x192x64xf32> to vector<192x64xf32>
    %dot_general3A_112 = arith.constant dense<0.000000e+00> : vector<8x64xf32>
    %dot_general3A_113 = tpu.matmul %get3A_109, %squeeze3A_111, %dot_general3A_112 {dimension_numbers = #tpu.dot_dimension_numbers<[0], [0], [1], [1], [0, 1, 1, 1], [], []>, transpose_lhs_hint = false} : vector<192x8xf32>, vector<192x64xf32>, vector<8x64xf32> -> vector<8x64xf32>
    %get3A_114 = arith.constant 0 : index
    %get3A_115 = arith.constant 0 : index
    %get3A_116 = vector.load %arg3[%get3A_114, %get3A_115] : memref<192x8xf32, #tpu.memory_space<vmem>>, vector<192x8xf32>
    %slice3A_117 = vector.extract_strided_slice %reshape3A_10 {offsets = [15, 0, 0], sizes = [1, 192, 64], strides = [1, 1, 1]} : vector<16x192x64xf32> to vector<1x192x64xf32>
    %squeeze3A_118 = vector.shape_cast %slice3A_117 : vector<1x192x64xf32> to vector<192x64xf32>
    %dot_general3A_119 = arith.constant dense<0.000000e+00> : vector<8x64xf32>
    %dot_general3A_120 = tpu.matmul %get3A_116, %squeeze3A_118, %dot_general3A_119 {dimension_numbers = #tpu.dot_dimension_numbers<[0], [0], [1], [1], [0, 1, 1, 1], [], []>, transpose_lhs_hint = false} : vector<192x8xf32>, vector<192x64xf32>, vector<8x64xf32> -> vector<8x64xf32>
    %concatenate3A = tpu.concatenate %dot_general3A_15, %dot_general3A_22, %dot_general3A_29, %dot_general3A_36, %dot_general3A_43, %dot_general3A_50, %dot_general3A_57, %dot_general3A_64, %dot_general3A_71, %dot_general3A_78, %dot_general3A_85, %dot_general3A_92, %dot_general3A_99, %dot_general3A_106, %dot_general3A_113, %dot_general3A_120 in 1 : vector<8x64xf32>, vector<8x64xf32>, vector<8x64xf32>, vector<8x64xf32>, vector<8x64xf32>, vector<8x64xf32>, vector<8x64xf32>, vector<8x64xf32>, vector<8x64xf32>, vector<8x64xf32>, vector<8x64xf32>, vector<8x64xf32>, vector<8x64xf32>, vector<8x64xf32>, vector<8x64xf32>, vector<8x64xf32> -> vector<8x1024xf32>
    %get3A_121 = arith.constant 0 : index
    %get3A_122 = arith.constant 0 : index
    %get3A_123 = vector.load %arg9[%get3A_121, %get3A_122] : memref<8x1024xf32, #tpu.memory_space<vmem>>, vector<8x1024xf32>
    %get3A_124 = arith.constant 0 : index
    %get3A_125 = arith.constant 0 : index
    %get3A_126 = vector.load %arg12[%get3A_124, %get3A_125] : memref<8x1xf32, #tpu.memory_space<vmem>>, vector<8x1xf32>
    %mul3A = vector.broadcast %get3A_126 : vector<8x1xf32> to vector<8x1024xf32>
    %mul3A_127 = arith.mulf %mul3A, %concatenate3A : vector<8x1024xf32>
    %add3A = arith.addf %get3A_123, %mul3A_127 : vector<8x1024xf32>
    %get3A_128 = arith.constant 0 : index
    %get3A_129 = arith.constant 0 : index
    %get3A_130 = vector.load %arg13[%get3A_128, %get3A_129] : memref<8x1xf32, #tpu.memory_space<vmem>>, vector<8x1xf32>
    %ne3A = arith.constant 0.000000e+00 : f32
    %ne3A_131 = vector.broadcast %ne3A : f32 to vector<8x1xf32>
    %ne3A_132 = arith.cmpf one, %get3A_130, %ne3A_131 : vector<8x1xf32>
    %logistic3A = arith.negf %concatenate3A : vector<8x1024xf32>
    %logistic3A_133 = math.exp %logistic3A : vector<8x1024xf32>
    %logistic3A_134 = arith.constant 1.000000e+00 : f32
    %logistic3A_135 = vector.broadcast %logistic3A_134 : f32 to vector<8x1024xf32>
    %logistic3A_136 = arith.addf %logistic3A_135, %logistic3A_133 : vector<8x1024xf32>
    %logistic3A_137 = arith.divf %logistic3A_135, %logistic3A_136 : vector<8x1024xf32>
    %broadcast_in_dim3A = vector.shape_cast %ne3A_132 : vector<8x1xi1> to vector<8x1xi1>
    %broadcast_in_dim3A_138 = vector.broadcast %broadcast_in_dim3A : vector<8x1xi1> to vector<8x1024xi1>
    %select_n3A = arith.select %broadcast_in_dim3A_138, %logistic3A_137, %add3A : vector<8x1024xi1>, vector<8x1024xf32>
    %swap3A = arith.constant 0 : index
    %swap3A_139 = arith.constant 0 : index
    %swap3A_140 = arith.constant 0 : index
    %swap3A_141 = vector.load %arg14[%swap3A, %swap3A_139, %swap3A_140] : memref<1x8x1024xf32, #tpu.memory_space<vmem>>, vector<1x8x1024xf32>
    %swap3A_142 = vector.shape_cast %swap3A_141 : vector<1x8x1024xf32> to vector<8x1024xf32>
    %swap3A_143 = vector.shape_cast %select_n3A : vector<8x1024xf32> to vector<1x8x1024xf32>
    tpu.vector_store %arg14[%swap3A, %swap3A_139, %swap3A_140], %swap3A_143 {strides = array<i32>} : memref<1x8x1024xf32, #tpu.memory_space<vmem>>, vector<1x8x1024xf32>,
    %get3A_144 = arith.constant 0 : index
    %get3A_145 = arith.constant 0 : index
    %get3A_146 = vector.load %arg7[%get3A_144, %get3A_145] : memref<512x512xf32, #tpu.memory_space<vmem>>, vector<512x512xf32>
    %dot_general3A_147 = arith.constant dense<0.000000e+00> : vector<384x512xf32>
    %dot_general3A_148 = tpu.matmul %reshape3A, %get3A_146, %dot_general3A_147 {dimension_numbers = #tpu.dot_dimension_numbers<[1], [0], [0], [1], [0, 0, 1, 1], [], []>, transpose_lhs_hint = false} : vector<384x512xf32>, vector<512x512xf32>, vector<384x512xf32> -> vector<384x512xf32>
    %reshape3A_149 = vector.shape_cast %dot_general3A_148 : vector<384x512xf32> to vector<3x8x16x16x32xf32>
    %transpose3A_150 = tpu.transpose %reshape3A_149, [1, 0, 2, 3, 4] : vector<3x8x16x16x32xf32> -> vector<8x3x16x16x32xf32>
    %reshape3A_151 = vector.shape_cast %transpose3A_150 : vector<8x3x16x16x32xf32> to vector<8x768x32xf32>
    %get3A_152 = arith.constant 0 : index
    %get3A_153 = arith.constant 0 : index
    %get3A_154 = vector.load %arg4[%get3A_152, %get3A_153] : memref<768x8xf32, #tpu.memory_space<vmem>>, vector<768x8xf32>
    %slice3A_155 = vector.extract_strided_slice %reshape3A_151 {offsets = [0, 0, 0], sizes = [1, 768, 32], strides = [1, 1, 1]} : vector<8x768x32xf32> to vector<1x768x32xf32>
    %squeeze3A_156 = vector.shape_cast %slice3A_155 : vector<1x768x32xf32> to vector<768x32xf32>
    %dot_general3A_157 = arith.constant dense<0.000000e+00> : vector<8x32xf32>
    %dot_general3A_158 = tpu.matmul %get3A_154, %squeeze3A_156, %dot_general3A_157 {dimension_numbers = #tpu.dot_dimension_numbers<[0], [0], [1], [1], [0, 1, 1, 1], [], []>, transpose_lhs_hint = false} : vector<768x8xf32>, vector<768x32xf32>, vector<8x32xf32> -> vector<8x32xf32>
    %get3A_159 = arith.constant 0 : index
    %get3A_160 = arith.constant 0 : index
    %get3A_161 = vector.load %arg4[%get3A_159, %get3A_160] : memref<768x8xf32, #tpu.memory_space<vmem>>, vector<768x8xf32>
    %slice3A_162 = vector.extract_strided_slice %reshape3A_151 {offsets = [1, 0, 0], sizes = [1, 768, 32], strides = [1, 1, 1]} : vector<8x768x32xf32> to vector<1x768x32xf32>
    %squeeze3A_163 = vector.shape_cast %slice3A_162 : vector<1x768x32xf32> to vector<768x32xf32>
    %dot_general3A_164 = arith.constant dense<0.000000e+00> : vector<8x32xf32>
    %dot_general3A_165 = tpu.matmul %get3A_161, %squeeze3A_163, %dot_general3A_164 {dimension_numbers = #tpu.dot_dimension_numbers<[0], [0], [1], [1], [0, 1, 1, 1], [], []>, transpose_lhs_hint = false} : vector<768x8xf32>, vector<768x32xf32>, vector<8x32xf32> -> vector<8x32xf32>
    %get3A_166 = arith.constant 0 : index
    %get3A_167 = arith.constant 0 : index
    %get3A_168 = vector.load %arg4[%get3A_166, %get3A_167] : memref<768x8xf32, #tpu.memory_space<vmem>>, vector<768x8xf32>
    %slice3A_169 = vector.extract_strided_slice %reshape3A_151 {offsets = [2, 0, 0], sizes = [1, 768, 32], strides = [1, 1, 1]} : vector<8x768x32xf32> to vector<1x768x32xf32>
    %squeeze3A_170 = vector.shape_cast %slice3A_169 : vector<1x768x32xf32> to vector<768x32xf32>
    %dot_general3A_171 = arith.constant dense<0.000000e+00> : vector<8x32xf32>
    %dot_general3A_172 = tpu.matmul %get3A_168, %squeeze3A_170, %dot_general3A_171 {dimension_numbers = #tpu.dot_dimension_numbers<[0], [0], [1], [1], [0, 1, 1, 1], [], []>, transpose_lhs_hint = false} : vector<768x8xf32>, vector<768x32xf32>, vector<8x32xf32> -> vector<8x32xf32>
    %get3A_173 = arith.constant 0 : index
    %get3A_174 = arith.constant 0 : index
    %get3A_175 = vector.load %arg4[%get3A_173, %get3A_174] : memref<768x8xf32, #tpu.memory_space<vmem>>, vector<768x8xf32>
    %slice3A_176 = vector.extract_strided_slice %reshape3A_151 {offsets = [3, 0, 0], sizes = [1, 768, 32], strides = [1, 1, 1]} : vector<8x768x32xf32> to vector<1x768x32xf32>
    %squeeze3A_177 = vector.shape_cast %slice3A_176 : vector<1x768x32xf32> to vector<768x32xf32>
    %dot_general3A_178 = arith.constant dense<0.000000e+00> : vector<8x32xf32>
    %dot_general3A_179 = tpu.matmul %get3A_175, %squeeze3A_177, %dot_general3A_178 {dimension_numbers = #tpu.dot_dimension_numbers<[0], [0], [1], [1], [0, 1, 1, 1], [], []>, transpose_lhs_hint = false} : vector<768x8xf32>, vector<768x32xf32>, vector<8x32xf32> -> vector<8x32xf32>
    %get3A_180 = arith.constant 0 : index
    %get3A_181 = arith.constant 0 : index
    %get3A_182 = vector.load %arg4[%get3A_180, %get3A_181] : memref<768x8xf32, #tpu.memory_space<vmem>>, vector<768x8xf32>
    %slice3A_183 = vector.extract_strided_slice %reshape3A_151 {offsets = [4, 0, 0], sizes = [1, 768, 32], strides = [1, 1, 1]} : vector<8x768x32xf32> to vector<1x768x32xf32>
    %squeeze3A_184 = vector.shape_cast %slice3A_183 : vector<1x768x32xf32> to vector<768x32xf32>
    %dot_general3A_185 = arith.constant dense<0.000000e+00> : vector<8x32xf32>
    %dot_general3A_186 = tpu.matmul %get3A_182, %squeeze3A_184, %dot_general3A_185 {dimension_numbers = #tpu.dot_dimension_numbers<[0], [0], [1], [1], [0, 1, 1, 1], [], []>, transpose_lhs_hint = false} : vector<768x8xf32>, vector<768x32xf32>, vector<8x32xf32> -> vector<8x32xf32>
    %get3A_187 = arith.constant 0 : index
    %get3A_188 = arith.constant 0 : index
    %get3A_189 = vector.load %arg4[%get3A_187, %get3A_188] : memref<768x8xf32, #tpu.memory_space<vmem>>, vector<768x8xf32>
    %slice3A_190 = vector.extract_strided_slice %reshape3A_151 {offsets = [5, 0, 0], sizes = [1, 768, 32], strides = [1, 1, 1]} : vector<8x768x32xf32> to vector<1x768x32xf32>
    %squeeze3A_191 = vector.shape_cast %slice3A_190 : vector<1x768x32xf32> to vector<768x32xf32>
    %dot_general3A_192 = arith.constant dense<0.000000e+00> : vector<8x32xf32>
    %dot_general3A_193 = tpu.matmul %get3A_189, %squeeze3A_191, %dot_general3A_192 {dimension_numbers = #tpu.dot_dimension_numbers<[0], [0], [1], [1], [0, 1, 1, 1], [], []>, transpose_lhs_hint = false} : vector<768x8xf32>, vector<768x32xf32>, vector<8x32xf32> -> vector<8x32xf32>
    %get3A_194 = arith.constant 0 : index
    %get3A_195 = arith.constant 0 : index
    %get3A_196 = vector.load %arg4[%get3A_194, %get3A_195] : memref<768x8xf32, #tpu.memory_space<vmem>>, vector<768x8xf32>
    %slice3A_197 = vector.extract_strided_slice %reshape3A_151 {offsets = [6, 0, 0], sizes = [1, 768, 32], strides = [1, 1, 1]} : vector<8x768x32xf32> to vector<1x768x32xf32>
    %squeeze3A_198 = vector.shape_cast %slice3A_197 : vector<1x768x32xf32> to vector<768x32xf32>
    %dot_general3A_199 = arith.constant dense<0.000000e+00> : vector<8x32xf32>
    %dot_general3A_200 = tpu.matmul %get3A_196, %squeeze3A_198, %dot_general3A_199 {dimension_numbers = #tpu.dot_dimension_numbers<[0], [0], [1], [1], [0, 1, 1, 1], [], []>, transpose_lhs_hint = false} : vector<768x8xf32>, vector<768x32xf32>, vector<8x32xf32> -> vector<8x32xf32>
    %get3A_201 = arith.constant 0 : index
    %get3A_202 = arith.constant 0 : index
    %get3A_203 = vector.load %arg4[%get3A_201, %get3A_202] : memref<768x8xf32, #tpu.memory_space<vmem>>, vector<768x8xf32>
    %slice3A_204 = vector.extract_strided_slice %reshape3A_151 {offsets = [7, 0, 0], sizes = [1, 768, 32], strides = [1, 1, 1]} : vector<8x768x32xf32> to vector<1x768x32xf32>
    %squeeze3A_205 = vector.shape_cast %slice3A_204 : vector<1x768x32xf32> to vector<768x32xf32>
    %dot_general3A_206 = arith.constant dense<0.000000e+00> : vector<8x32xf32>
    %dot_general3A_207 = tpu.matmul %get3A_203, %squeeze3A_205, %dot_general3A_206 {dimension_numbers = #tpu.dot_dimension_numbers<[0], [0], [1], [1], [0, 1, 1, 1], [], []>, transpose_lhs_hint = false} : vector<768x8xf32>, vector<768x32xf32>, vector<8x32xf32> -> vector<8x32xf32>
    %concatenate3A_208 = tpu.concatenate %dot_general3A_158, %dot_general3A_165, %dot_general3A_172, %dot_general3A_179, %dot_general3A_186, %dot_general3A_193, %dot_general3A_200, %dot_general3A_207 in 1 : vector<8x32xf32>, vector<8x32xf32>, vector<8x32xf32>, vector<8x32xf32>, vector<8x32xf32>, vector<8x32xf32>, vector<8x32xf32>, vector<8x32xf32> -> vector<8x256xf32>
    %get3A_209 = arith.constant 0 : index
    %get3A_210 = arith.constant 0 : index
    %get3A_211 = vector.load %arg10[%get3A_209, %get3A_210] : memref<8x256xf32, #tpu.memory_space<vmem>>, vector<8x256xf32>
    %get3A_212 = arith.constant 0 : index
    %get3A_213 = arith.constant 0 : index
    %get3A_214 = vector.load %arg12[%get3A_212, %get3A_213] : memref<8x1xf32, #tpu.memory_space<vmem>>, vector<8x1xf32>
    %mul3A_215 = vector.broadcast %get3A_214 : vector<8x1xf32> to vector<8x256xf32>
    %mul3A_216 = arith.mulf %mul3A_215, %concatenate3A_208 : vector<8x256xf32>
    %add3A_217 = arith.addf %get3A_211, %mul3A_216 : vector<8x256xf32>
    %get3A_218 = arith.constant 0 : index
    %get3A_219 = arith.constant 0 : index
    %get3A_220 = vector.load %arg13[%get3A_218, %get3A_219] : memref<8x1xf32, #tpu.memory_space<vmem>>, vector<8x1xf32>
    %ne3A_221 = arith.constant 0.000000e+00 : f32
    %ne3A_222 = vector.broadcast %ne3A_221 : f32 to vector<8x1xf32>
    %ne3A_223 = arith.cmpf one, %get3A_220, %ne3A_222 : vector<8x1xf32>
    %logistic3A_224 = arith.negf %concatenate3A_208 : vector<8x256xf32>
    %logistic3A_225 = math.exp %logistic3A_224 : vector<8x256xf32>
    %logistic3A_226 = arith.constant 1.000000e+00 : f32
    %logistic3A_227 = vector.broadcast %logistic3A_226 : f32 to vector<8x256xf32>
    %logistic3A_228 = arith.addf %logistic3A_227, %logistic3A_225 : vector<8x256xf32>
    %logistic3A_229 = arith.divf %logistic3A_227, %logistic3A_228 : vector<8x256xf32>
    %broadcast_in_dim3A_230 = vector.shape_cast %ne3A_223 : vector<8x1xi1> to vector<8x1xi1>
    %broadcast_in_dim3A_231 = vector.broadcast %broadcast_in_dim3A_230 : vector<8x1xi1> to vector<8x256xi1>
    %select_n3A_232 = arith.select %broadcast_in_dim3A_231, %logistic3A_229, %add3A_217 : vector<8x256xi1>, vector<8x256xf32>
    %swap3A_233 = arith.constant 0 : index
    %swap3A_234 = arith.constant 0 : index
    %swap3A_235 = arith.constant 0 : index
    %swap3A_236 = vector.load %arg15[%swap3A_233, %swap3A_234, %swap3A_235] : memref<1x8x256xf32, #tpu.memory_space<vmem>>, vector<1x8x256xf32>
    %swap3A_237 = vector.shape_cast %swap3A_236 : vector<1x8x256xf32> to vector<8x256xf32>
    %swap3A_238 = vector.shape_cast %select_n3A_232 : vector<8x256xf32> to vector<1x8x256xf32>
    tpu.vector_store %arg15[%swap3A_233, %swap3A_234, %swap3A_235], %swap3A_238 {strides = array<i32>} : memref<1x8x256xf32, #tpu.memory_space<vmem>>, vector<1x8x256xf32>,
    %get3A_239 = arith.constant 0 : index
    %get3A_240 = arith.constant 0 : index
    %get3A_241 = vector.load %arg8[%get3A_239, %get3A_240] : memref<512x512xf32, #tpu.memory_space<vmem>>, vector<512x512xf32>
    %dot_general3A_242 = arith.constant dense<0.000000e+00> : vector<384x512xf32>
    %dot_general3A_243 = tpu.matmul %reshape3A, %get3A_241, %dot_general3A_242 {dimension_numbers = #tpu.dot_dimension_numbers<[1], [0], [0], [1], [0, 0, 1, 1], [], []>, transpose_lhs_hint = false} : vector<384x512xf32>, vector<512x512xf32>, vector<384x512xf32> -> vector<384x512xf32>
    %reshape3A_244 = vector.shape_cast %dot_general3A_243 : vector<384x512xf32> to vector<3x4x32x32x16xf32>
    %transpose3A_245 = tpu.transpose %reshape3A_244, [1, 0, 2, 3, 4] : vector<3x4x32x32x16xf32> -> vector<4x3x32x32x16xf32>
    %reshape3A_246 = vector.shape_cast %transpose3A_245 : vector<4x3x32x32x16xf32> to vector<4x3072x16xf32>
    %get3A_247 = arith.constant 0 : index
    %get3A_248 = arith.constant 0 : index
    %get3A_249 = vector.load %arg5[%get3A_247, %get3A_248] : memref<3072x8xf32, #tpu.memory_space<vmem>>, vector<3072x8xf32>
    %slice3A_250 = vector.extract_strided_slice %reshape3A_246 {offsets = [0, 0, 0], sizes = [1, 3072, 16], strides = [1, 1, 1]} : vector<4x3072x16xf32> to vector<1x3072x16xf32>
    %squeeze3A_251 = vector.shape_cast %slice3A_250 : vector<1x3072x16xf32> to vector<3072x16xf32>
    %dot_general3A_252 = arith.constant dense<0.000000e+00> : vector<8x16xf32>
    %dot_general3A_253 = tpu.matmul %get3A_249, %squeeze3A_251, %dot_general3A_252 {dimension_numbers = #tpu.dot_dimension_numbers<[0], [0], [1], [1], [0, 1, 1, 1], [], []>, transpose_lhs_hint = false} : vector<3072x8xf32>, vector<3072x16xf32>, vector<8x16xf32> -> vector<8x16xf32>
    %get3A_254 = arith.constant 0 : index
    %get3A_255 = arith.constant 0 : index
    %get3A_256 = vector.load %arg5[%get3A_254, %get3A_255] : memref<3072x8xf32, #tpu.memory_space<vmem>>, vector<3072x8xf32>
    %slice3A_257 = vector.extract_strided_slice %reshape3A_246 {offsets = [1, 0, 0], sizes = [1, 3072, 16], strides = [1, 1, 1]} : vector<4x3072x16xf32> to vector<1x3072x16xf32>
    %squeeze3A_258 = vector.shape_cast %slice3A_257 : vector<1x3072x16xf32> to vector<3072x16xf32>
    %dot_general3A_259 = arith.constant dense<0.000000e+00> : vector<8x16xf32>
    %dot_general3A_260 = tpu.matmul %get3A_256, %squeeze3A_258, %dot_general3A_259 {dimension_numbers = #tpu.dot_dimension_numbers<[0], [0], [1], [1], [0, 1, 1, 1], [], []>, transpose_lhs_hint = false} : vector<3072x8xf32>, vector<3072x16xf32>, vector<8x16xf32> -> vector<8x16xf32>
    %get3A_261 = arith.constant 0 : index
    %get3A_262 = arith.constant 0 : index
    %get3A_263 = vector.load %arg5[%get3A_261, %get3A_262] : memref<3072x8xf32, #tpu.memory_space<vmem>>, vector<3072x8xf32>
    %slice3A_264 = vector.extract_strided_slice %reshape3A_246 {offsets = [2, 0, 0], sizes = [1, 3072, 16], strides = [1, 1, 1]} : vector<4x3072x16xf32> to vector<1x3072x16xf32>
    %squeeze3A_265 = vector.shape_cast %slice3A_264 : vector<1x3072x16xf32> to vector<3072x16xf32>
    %dot_general3A_266 = arith.constant dense<0.000000e+00> : vector<8x16xf32>
    %dot_general3A_267 = tpu.matmul %get3A_263, %squeeze3A_265, %dot_general3A_266 {dimension_numbers = #tpu.dot_dimension_numbers<[0], [0], [1], [1], [0, 1, 1, 1], [], []>, transpose_lhs_hint = false} : vector<3072x8xf32>, vector<3072x16xf32>, vector<8x16xf32> -> vector<8x16xf32>
    %get3A_268 = arith.constant 0 : index
    %get3A_269 = arith.constant 0 : index
    %get3A_270 = vector.load %arg5[%get3A_268, %get3A_269] : memref<3072x8xf32, #tpu.memory_space<vmem>>, vector<3072x8xf32>
    %slice3A_271 = vector.extract_strided_slice %reshape3A_246 {offsets = [3, 0, 0], sizes = [1, 3072, 16], strides = [1, 1, 1]} : vector<4x3072x16xf32> to vector<1x3072x16xf32>
    %squeeze3A_272 = vector.shape_cast %slice3A_271 : vector<1x3072x16xf32> to vector<3072x16xf32>
    %dot_general3A_273 = arith.constant dense<0.000000e+00> : vector<8x16xf32>
    %dot_general3A_274 = tpu.matmul %get3A_270, %squeeze3A_272, %dot_general3A_273 {dimension_numbers = #tpu.dot_dimension_numbers<[0], [0], [1], [1], [0, 1, 1, 1], [], []>, transpose_lhs_hint = false} : vector<3072x8xf32>, vector<3072x16xf32>, vector<8x16xf32> -> vector<8x16xf32>
    %concatenate3A_275 = tpu.concatenate %dot_general3A_253, %dot_general3A_260, %dot_general3A_267, %dot_general3A_274 in 1 : vector<8x16xf32>, vector<8x16xf32>, vector<8x16xf32>, vector<8x16xf32> -> vector<8x64xf32>
    %get3A_276 = arith.constant 0 : index
    %get3A_277 = arith.constant 0 : index
    %get3A_278 = arith.constant 0 : index
    %get3A_279 = vector.load %arg11[%get3A_276, %get3A_277, %get3A_278] : memref<1x8x64xf32, #tpu.memory_space<vmem>>, vector<1x8x64xf32>
    %get3A_280 = vector.shape_cast %get3A_279 : vector<1x8x64xf32> to vector<8x64xf32>
    %get3A_281 = arith.constant 0 : index
    %get3A_282 = arith.constant 0 : index
    %get3A_283 = vector.load %arg12[%get3A_281, %get3A_282] : memref<8x1xf32, #tpu.memory_space<vmem>>, vector<8x1xf32>
    %mul3A_284 = vector.broadcast %get3A_283 : vector<8x1xf32> to vector<8x64xf32>
    %mul3A_285 = arith.mulf %mul3A_284, %concatenate3A_275 : vector<8x64xf32>
    %add3A_286 = arith.addf %get3A_280, %mul3A_285 : vector<8x64xf32>
    %get3A_287 = arith.constant 0 : index
    %get3A_288 = arith.constant 0 : index
    %get3A_289 = vector.load %arg13[%get3A_287, %get3A_288] : memref<8x1xf32, #tpu.memory_space<vmem>>, vector<8x1xf32>
    %ne3A_290 = arith.constant 0.000000e+00 : f32
    %ne3A_291 = vector.broadcast %ne3A_290 : f32 to vector<8x1xf32>
    %ne3A_292 = arith.cmpf one, %get3A_289, %ne3A_291 : vector<8x1xf32>
    %logistic3A_293 = arith.negf %concatenate3A_275 : vector<8x64xf32>
    %logistic3A_294 = math.exp %logistic3A_293 : vector<8x64xf32>
    %logistic3A_295 = arith.constant 1.000000e+00 : f32
    %logistic3A_296 = vector.broadcast %logistic3A_295 : f32 to vector<8x64xf32>
    %logistic3A_297 = arith.addf %logistic3A_296, %logistic3A_294 : vector<8x64xf32>
    %logistic3A_298 = arith.divf %logistic3A_296, %logistic3A_297 : vector<8x64xf32>
    %broadcast_in_dim3A_299 = vector.shape_cast %ne3A_292 : vector<8x1xi1> to vector<8x1xi1>
    %broadcast_in_dim3A_300 = vector.broadcast %broadcast_in_dim3A_299 : vector<8x1xi1> to vector<8x64xi1>
    %select_n3A_301 = arith.select %broadcast_in_dim3A_300, %logistic3A_298, %add3A_286 : vector<8x64xi1>, vector<8x64xf32>
    %swap3A_302 = arith.constant 0 : index
    %swap3A_303 = arith.constant 0 : index
    %swap3A_304 = arith.constant 0 : index
    %swap3A_305 = arith.constant 0 : index
    %swap3A_306 = vector.load %arg16[%swap3A_302, %swap3A_303, %swap3A_304, %swap3A_305] : memref<1x1x8x64xf32, #tpu.memory_space<vmem>>, vector<1x1x8x64xf32>
    %swap3A_307 = vector.shape_cast %swap3A_306 : vector<1x1x8x64xf32> to vector<8x64xf32>
    %swap3A_308 = vector.shape_cast %select_n3A_301 : vector<8x64xf32> to vector<1x1x8x64xf32>
    tpu.vector_store %arg16[%swap3A_302, %swap3A_303, %swap3A_304, %swap3A_305], %swap3A_308 {strides = array<i32>} : memref<1x1x8x64xf32, #tpu.memory_space<vmem>>, vector<1x1x8x64xf32>,
    return
  }
  func.func @transform_0(%arg0: i32, %arg1: i32) -> (i32, i32, i32, i32) {
    %c0_i32 = arith.constant 0 : i32
    %c0_i32_0 = arith.constant 0 : i32
    %c0_i32_1 = arith.constant 0 : i32
    return %arg0, %c0_i32, %arg1, %c0_i32_0 : i32, i32, i32, i32
  }
  func.func @transform_1(%arg0: i32, %arg1: i32) -> (i32, i32) {
    %c0_i32 = arith.constant 0 : i32
    %c0_i32_0 = arith.constant 0 : i32
    %c0_i32_1 = arith.constant 0 : i32
    return %c0_i32, %c0_i32_0 : i32, i32
  }
  func.func @transform_2(%arg0: i32, %arg1: i32) -> (i32, i32) {
    %c0_i32 = arith.constant 0 : i32
    %c0_i32_0 = arith.constant 0 : i32
    %c0_i32_1 = arith.constant 0 : i32
    return %c0_i32, %c0_i32_0 : i32, i32
  }
  func.func @transform_3(%arg0: i32, %arg1: i32) -> (i32, i32) {
    %c0_i32 = arith.constant 0 : i32
    %c0_i32_0 = arith.constant 0 : i32
    %c0_i32_1 = arith.constant 0 : i32
    return %c0_i32, %c0_i32_0 : i32, i32
  }
  func.func @transform_4(%arg0: i32, %arg1: i32) -> (i32, i32) {
    %c0_i32 = arith.constant 0 : i32
    %c0_i32_0 = arith.constant 0 : i32
    %c0_i32_1 = arith.constant 0 : i32
    return %c0_i32, %c0_i32_0 : i32, i32
  }
  func.func @transform_5(%arg0: i32, %arg1: i32) -> (i32, i32) {
    %c0_i32 = arith.constant 0 : i32
    %c0_i32_0 = arith.constant 0 : i32
    %c0_i32_1 = arith.constant 0 : i32
    return %c0_i32, %c0_i32_0 : i32, i32
  }
  func.func @transform_6(%arg0: i32, %arg1: i32) -> (i32, i32) {
    %c0_i32 = arith.constant 0 : i32
    %c0_i32_0 = arith.constant 0 : i32
    %c0_i32_1 = arith.constant 0 : i32
    return %c0_i32, %c0_i32_0 : i32, i32
  }
  func.func @transform_7(%arg0: i32, %arg1: i32) -> (i32, i32) {
    %c0_i32 = arith.constant 0 : i32
    %c0_i32_0 = arith.constant 0 : i32
    return %c0_i32, %arg1 : i32, i32
  }
  func.func @transform_8(%arg0: i32, %arg1: i32) -> (i32, i32) {
    %c0_i32 = arith.constant 0 : i32
    %c0_i32_0 = arith.constant 0 : i32
    return %c0_i32, %arg1 : i32, i32
  }
  func.func @transform_9(%arg0: i32, %arg1: i32) -> (i32, i32, i32) {
    %c0_i32 = arith.constant 0 : i32
    %c0_i32_0 = arith.constant 0 : i32
    %c0_i32_1 = arith.constant 0 : i32
    return %arg1, %c0_i32, %c0_i32_0 : i32, i32, i32
  }
  func.func @transform_10(%arg0: i32, %arg1: i32) -> (i32, i32) {
    %c0_i32 = arith.constant 0 : i32
    %c0_i32_0 = arith.constant 0 : i32
    %c0_i32_1 = arith.constant 0 : i32
    return %c0_i32, %c0_i32_0 : i32, i32
  }
  func.func @transform_11(%arg0: i32, %arg1: i32) -> (i32, i32) {
    %c0_i32 = arith.constant 0 : i32
    %c0_i32_0 = arith.constant 0 : i32
    %c0_i32_1 = arith.constant 0 : i32
    return %c0_i32, %c0_i32_0 : i32, i32
  }
  func.func @transform_12(%arg0: i32, %arg1: i32) -> (i32, i32, i32) {
    %c0_i32 = arith.constant 0 : i32
    %c0_i32_0 = arith.constant 0 : i32
    return %arg0, %c0_i32, %arg1 : i32, i32, i32
  }
  func.func @transform_13(%arg0: i32, %arg1: i32) -> (i32, i32, i32) {
    %c0_i32 = arith.constant 0 : i32
    %c0_i32_0 = arith.constant 0 : i32
    return %arg0, %c0_i32, %arg1 : i32, i32, i32
  }
  func.func @transform_14(%arg0: i32, %arg1: i32) -> (i32, i32, i32, i32) {
    %c0_i32 = arith.constant 0 : i32
    %c0_i32_0 = arith.constant 0 : i32
    %c0_i32_1 = arith.constant 0 : i32
    return %arg0, %arg1, %c0_i32, %c0_i32_0 : i32, i32, i32, i32
  }
}

</mosaic_0001>

<sc_bundles>
// kernel: kernel.4.cloned.1.call-start
scs
__scs_entry_jumppad:
0x0: {  	(pc) =	sbr.rel $0x88, $3  }
0x1: {  	(tag) =	ssettag $0x0;
	lr =	simm.s32 $0x1  }
0x2: {  	[smem:$0x3F9A] =	sst lr;
	_ =	strace $0xD0000000  }
0x3: {  	_ = 	snop  }
0x4: {  	_ = 	snop  }
0x5: {  	_ = 	snop  }
0x6: {  	_ = 	snop  }
0x7: {  	_ = 	snop  }
__scs_overlays_trampoline_lowered:
0x8: {  	[smem:$0x3FA9] =	sst s0  }
0x9: {  	[smem:$0x3FAA] =	sst s1  }
0xa: {  	[smem:$0x3FAB] =	sst s2  }
0xb: {  	[smem:$0x3FAC] =	sst s3  }
0xc: {  	[smem:$0x3FAD] =	sst s4  }
0xd: {  	[smem:$0x3FAE] =	sst s5  }
0xe: {  	[smem:$0x3FAF] =	sst s6  }
0xf: {  	[smem:$0x3FB0] =	sst s7  }
0x10: {  	[smem:$0x3FB1] =	sst s8  }
0x11: {  	[smem:$0x3FB2] =	sst s9;
	s0 =	simm.s32 @!p0 $0x0  }
0x12: {  	s1 =	sld [smem:$0x3F98];
	s0 =	simm.s32 @p0 $0x1  }
0x13: {  	[smem:$0x3FB3] =	sst s0;
	s0 =	simm.s32 @!p1 $0x0  }
0x14: {  	s2 =	sld [smem:$0x3F97];
	s0 =	simm.s32 @p1 $0x1  }
0x15: {  	[smem:$0x3FB4] =	sst s0;
	s0 =	simm.s32 @!p2 $0x0  }
0x16: {  	s3 =	sld [smem:$0x3FDB];
	s0 =	simm.s32 @p2 $0x1  }
0x17: {  	s4 =	simm.s32 $0x1BF5;
	[smem:$0x3FB6] =	sst s0  }
0x18: {  	s0 =	sld [smem:$0x3F99];
	_ =	swait.ge [sflag:s4], $0x0  }
0x19: {  	s7 =	sld [smem:$0x3F9A]  }
0x1a: {  	s8 =	sadd.s32 $0xFFFFE003, lr  }
0x1b: {  	s9 =	sadd.s32 $0xFFFFFEF7, lr;
	s5 =	simm.s32 $0xFFFFFFFF;
	p2 =	slt.u32 s8, $0xFFFFF086  }
0x1c: {  	p1 =	slt.u32 s9, $0xF7A;
	s5 =	simm.s32 @!p2 $0x0  }
0x1d: {  	s5 =	simm.s32 @p1 $0x1;
	p0 =	seq.s32 s7, s2  }
0x1e: {  	s7 =	smul.u32 @!p0 $0xF7A, s2;
	p2 =	seq.s32 @!p0 s5, $0x0  }
0x1f: {  	s9 =	smul.u32 $0xF7A, s1;
	s8 =	simm.s32 @!p0 $0x1BF5;
	p2 =	por !p2, p0  }
0x20: {  	[sflag:s8] =	ssyncset.s32 @!p0 $0xFFFFF086;
	s6 =	sadd.s32 @!p0 s3, s7;
	s7 =	simm.s32 @!p0 $0x108  }
0x21: {  	s3 =	sadd.s32 s3, s9;
	s6 =	sadd.s32 @!p0 $0x88, s6;
	s7 =	simm.s32 @p2 $0x1082  }
0x22: {  	[simem:s7], [sflag:s8] =	dma.local @!p0 [hbm:s6], $0xF7A  }
0x23: {  	s9 =	sor.u32 $0xD0000000, s2;
	s6 =	simm.s32 $0x108;
	_ =	swait.ge @!p0 [sflag:s8], $0x0  }
0x24: {  	s3 =	sadd.s32 $0x88, s3;
	s6 =	simm.s32 @!p1 $0x1082;
	[sflag:s4] =	ssyncset.s32 $0xFFFFF086  }
0x25: {  	[simem:s6], [sflag:s4] =	dma.local [hbm:s3], $0xF7A  }
0x26: {  	[smem:$0x3F9A] =	sst s1;
	(tag) =	ssettag s2;
	_ =	strace s9  }
0x27: {  	s1 =	sld [smem:$0x3FAA]  }
0x28: {  	s2 =	sld [smem:$0x3FAB]  }
0x29: {  	s4 =	sld [smem:$0x3FAD]  }
0x2a: {  	p0 =	seq.s32 s5, $0x0;
	s5 =	sld [smem:$0x3FAE]  }
0x2b: {  	s6 =	sld [smem:$0x3FAF]  }
0x2c: {  	s7 =	sld [smem:$0x3FB0]  }
0x2d: {  	s3 =	simm.s32 $0x108;
	s8 =	sld [smem:$0x3FB1]  }
0x2e: {  	s3 =	simm.s32 @!p0 $0x1082;
	s9 =	sld [smem:$0x3FB2]  }
0x2f: {  	lr =	sadd.s32 s0, s3;
	s0 =	sld [smem:$0x3FA9]  }
0x30: {  	s3 =	sld [smem:$0x3FAC]  }
0x31: {  	[smem:$0x3FB5] =	sst s10  }
0x32: {  	s10 =	sld [smem:$0x3FB3];
	_ =	sdelay $0x3  }
0x33: {  	p0 =	seq.s32 s10, $0x1;
	s10 =	sld [smem:$0x3FB5];
	_ =	sdelay $0x3  }
0x34: {  	[smem:$0x3FB5] =	sst s10  }
0x35: {  	s10 =	sld [smem:$0x3FB4];
	_ =	sdelay $0x3  }
0x36: {  	p1 =	seq.s32 s10, $0x1;
	s10 =	sld [smem:$0x3FB5];
	_ =	sdelay $0x3  }
0x37: {  	[smem:$0x3FB5] =	sst s10  }
0x38: {  	s10 =	sld [smem:$0x3FB6]  }
0x39: {  	_ = 	snop;
	(pc) =	sbr.ind lr, $3  }
0x3a: {  	_ = 	snop  }
0x3b: {  	_ = 	snop  }
0x3c: {  	p2 =	seq.s32 s10, $0x1;
	s10 =	sld [smem:$0x3FB5]  }
0x3d: {  	_ =	shalt  }
0x3e: {  	_ =	shalt  }
0x3f: {  	_ =	shalt  }
0x40: {  	_ =	shalt  }
0x41: {  	_ =	shalt  }
0x42: {  	_ =	shalt  }
0x43: {  	_ =	shalt  }
0x44: {  	_ =	shalt  }
0x45: {  	_ =	shalt  }
0x46: {  	_ =	shalt  }
0x47: {  	_ =	shalt  }
0x48: {  	_ =	shalt  }
0x49: {  	_ =	shalt  }
0x4a: {  	_ =	shalt  }
0x4b: {  	_ =	shalt  }
0x4c: {  	_ =	shalt  }
0x4d: {  	_ =	shalt  }
0x4e: {  	_ =	shalt  }
0x4f: {  	_ =	shalt  }
0x50: {  	_ =	shalt  }
0x51: {  	_ =	shalt  }
0x52: {  	_ =	shalt  }
0x53: {  	_ =	shalt  }
0x54: {  	_ =	shalt  }
0x55: {  	_ =	shalt  }
0x56: {  	_ =	shalt  }
0x57: {  	_ =	shalt  }
0x58: {  	_ =	shalt  }
0x59: {  	_ =	shalt  }
0x5a: {  	_ =	shalt  }
0x5b: {  	_ =	shalt  }
0x5c: {  	_ =	shalt  }
0x5d: {  	_ =	shalt  }
0x5e: {  	_ =	shalt  }
0x5f: {  	_ =	shalt  }
0x60: {  	_ =	shalt  }
0x61: {  	_ =	shalt  }
0x62: {  	_ =	shalt  }
0x63: {  	_ =	shalt  }
0x64: {  	_ =	shalt  }
0x65: {  	_ =	shalt  }
0x66: {  	_ =	shalt  }
0x67: {  	_ =	shalt  }
0x68: {  	_ =	shalt  }
0x69: {  	_ =	shalt  }
0x6a: {  	_ =	shalt  }
0x6b: {  	_ =	shalt  }
0x6c: {  	_ =	shalt  }
0x6d: {  	_ =	shalt  }
0x6e: {  	_ =	shalt  }
0x6f: {  	_ =	shalt  }
0x70: {  	_ =	shalt  }
0x71: {  	_ =	shalt  }
0x72: {  	_ =	shalt  }
0x73: {  	_ =	shalt  }
0x74: {  	_ =	shalt  }
0x75: {  	_ =	shalt  }
0x76: {  	_ =	shalt  }
0x77: {  	_ =	shalt  }
0x78: {  	_ =	shalt  }
0x79: {  	_ =	shalt  }
0x7a: {  	_ =	shalt  }
0x7b: {  	_ =	shalt  }
0x7c: {  	_ =	shalt  }
0x7d: {  	_ =	shalt  }
0x7e: {  	_ =	shalt  }
0x7f: {  	_ =	shalt  }
0x80: {  	_ =	shalt  }
0x81: {  	_ =	shalt  }
0x82: {  	_ =	shalt  }
0x83: {  	_ =	shalt  }
0x84: {  	_ =	shalt  }
0x85: {  	_ =	shalt  }
0x86: {  	_ =	shalt  }
0x87: {  	_ =	shalt  }
.Lfunc_end0:
.L_simem_size_0:
called_computation_lowered:
.L_overlay_start_0:
0x88: {  	s2 =	sld [smem:$0x3FD9]  }
0x89: {  	s3 =	sld [smem:$0x3FFE];
	_ =	sdelay $0x1  }
0x8a: {  	s1 =	srdreg.scid  }
0x8b: {  	s0 =	sand.u32 $0x1, s1  }
0x8c: {  	s14 =	sshll.u32 s0, $0xA;
	s2 =	sadd.s32 s3, s2  }
0x8d: {  	s2 =	sadd.s32 s2, s14  }
0x8e: {  	[smem:$0x3FC1] =	sst s2  }
0x8f: {  	_ = 	snop  }
0x90: {  	s2 =	sld [smem:$0x3FD0];
	_ =	sdelay $0x2  }
0x91: {  	s15 =	simm.s32 $0xA;
	s4 =	simm.s32 $0x10  }
0x92: {  	[smem:s4], [sflag:s15] =	dma.local [hbm:s2], $0x1  }
0x93: {  	_ =	swait.eq [sflag:s15], $0x1  }
0x94: {  	[sflag:s15] =	ssyncset.done $0x0  }
0x95: {  	s16 =	sld [smem:$0x10];
	[sflag:s15] =	ssyncadd.s32 $0xFFFFFFFF  }
0x96: {  	s17 =	sld [smem:$0x11];
	(tm) =	ssettm $0x1  }
0x97: {  	s18 =	sld [smem:$0x3FFB];
	_ =	sdelay $0x3  }
0x98: {  	_ =	strace s18  }
0x99: {  	s4 =	sld [smem:$0x3FFC];
	_ =	sdelay $0x3  }
0x9a: {  	_ =	strace s4  }
0x9b: {  	s4 =	sld [smem:$0x3FFD];
	_ =	sdelay $0x3  }
0x9c: {  	_ =	strace s4  }
0x9d: {  	_ =	strace $0x8FFFFFFF  }
0x9e: {  	s19 =	sld [smem:$0x3FDB];
	_ =	sdelay $0x1  }
0x9f: {  	s5 =	simm.s32 $_scs_section_size  }
0xa0: {  	s6 =	simm.s32 $_size__tile_overlayer_lowered;
	s7 =	simm.s32 $_tile_overlayer_lowered  }
0xa1: {  	s22 =	simm.s32 $0x1BFF;
	s21 =	sshll.u32 s7, $0x1;
	s4 =	sadd.s32 s5, s19  }
0xa2: {  	s8 =	simm.s32 $0x0;
	s20 =	sshll.u32 s6, $0x1;
	s6 =	sadd.s32 s21, s4  }
0xa3: {  	[timem:s8], [sflag:s22] =	dma.local [hbm:s6], s20  }
0xa4: {  	_ =	swait.ge [sflag:s22], s20  }
0xa5: {  	s5 =	ssub.s32 $0x0, s20;
	[sflag:s22] =	ssyncset.done $0x0  }
0xa6: {  	[sflag:s22] =	ssyncadd.s32 s5;
	_ =	sdelay $0x1  }
0xa7: {  	s23 =	simm.s32 $0x1B8B  }
0xa8: {  	_ =	swait.ge [sflag:s23], $0x1  }
0xa9: {  	[sflag:s23] =	ssyncset.done $0x0  }
0xaa: {  	s25 =	simm.s32 $0x1B8E;
	s24 =	sld [smem:$0x3FFE];
	[sflag:s23] =	ssyncadd.s32 $0xFFFFFFFF  }
0xab: {  	s26 =	simm.s32 $execute0_lowered;
	[smem:$0x3FD2] =	sst s25  }
0xac: {  	s6 =	sshll.u32 s26, $0x1;
	_ =	strace $0x80000046;
	[dreg:$0x1] =	wrdreg $0xFFFFFFFF  }
0xad: {  	s28 =	simm.s32 $_size_execute0_lowered;
	s4 =	sadd.s32 s4, s6;
	[dreg:$0x0] =	wrdreg $0x0  }
0xae: {  	s6 =	sshll.u32 s28, $0x1;
	[dreg:$0x2] =	wrdreg s4  }
0xaf: {  	[dreg:$0x3] =	wrdreg s6  }
0xb0: {  	[dreg:$0x4] =	wrdreg $0xC0  }
0xb1: {  	_ =	task [dreg:s8], $0x5FFFF  }
0xb2: {  	[dreg:$0x1] =	wrdreg $0xFFFFFFFF  }
0xb3: {  	[dreg:$0x0] =	wrdreg $0x60  }
0xb4: {  	[dreg:$0x2] =	wrdreg s24  }
0xb5: {  	[dreg:$0x3] =	wrdreg s16  }
0xb6: {  	[dreg:$0x4] =	wrdreg s17  }
0xb7: {  	[dreg:$0x5] =	wrdreg $0x9  }
0xb8: {  	_ =	task.clear_ibuf [dreg:s8], $0x6FFFF;
	_ =	strace $0x90000046  }
0xb9: {  	s29 =	simm.s32 $0x9;
	_ =	strace $0x80000048  }
0xba: {  	_ =	swait.ge [sflag:s29], $0x1  }
0xbb: {  	[sflag:s29] =	ssyncadd.s32 $0xFFFFFFFF  }
0xbc: {  	_ =	strace $0x90000048  }
0xbd: {  	_ =	sfence  }
0xbe: {  	s30 =	sld [smem:$0x0];
	_ =	sdelay $0x2  }
0xbf: {  	s31 =	sshll.u32 s1, $0xD;
	s1 =	sshrl.u32 s1, $0x2  }
0xc0: {  	s3 =	sand.u32 $0x4000, s31;
	s1 =	sadd.s32 s1, s30  }
0xc1: {  	s0 =	sor.u32 s3, s0;
	s1 =	sshll.u32 s1, $0x11  }
0xc2: {  	s0 =	sor.u32 s1, s0  }
0xc3: {  	s0 =	sadd.s32 $0x8F2B, s0  }
0xc4: {  	[sflag:s0] =	ssyncadd.remote.s32 $0x1  }
0xc5: {  	_ =	sfence.sel $0xFFFF  }
0xc6: {  	[dreg:$0x0] =	wrdreg $0xFFFFFFFF;
	(pc) =	sbr.abs _section_cstart, $3  }
0xc7: {  	[dreg:$0x1] =	wrdreg $0xFFFFFFFF  }
0xc8: {  	_ =	task.clear_ibuf [dreg:s8], $0x2FFFF;
	_ =	strace $0x9FFFFFFF  }
0xc9: {  	(tm) =	ssettm $0x7FFFFFFF  }
tec
execute0_lowered:
.L_overlay_start_1:
0x0: {  	(tag) =	ssettag $0x1  }
0x1: {  	s1 =	stileid.u32  }
0x2: {  	p0 =	sgt.u32 s1, $0x3  }
.Ltmp0:
0x3: {  	_ = 	snop;
	(pc) =	sbr.rel @p0 .LBB2_43-.Ltmp0, $4  }
0x4: {  	s3 =	rddreg [dreg:$0x0]  }
0x5: {  	s4 =	rddreg [dreg:$0x1];
	s2 =	simm.s32 $0x0  }
0x6: {  	[smem:$0x7FF] =	sst s2  }
0x7: {  	s6 =	rddreg [dreg:$0x2];
	_ =	strace $0x80000047  }
0x8: {  	v0 =	vimm.s32 $0xEDCBA987  }
0x9: {  	v2 =	vimm.s32 $0x65432100;
	v4 =	vimm.s32 $0xDCBA9876;
	v5 =	vimm.s32 $0x54321000  }
0xa: {  	v6 =	vimm.s32 $0xBA987654;
	v7 =	vimm.s32 $0xE40000;
	v8 =	vimm.s32 $0x32100000  }
0xb: {  	s5 =	srdreg.scid;
	s7 =	sshll.u32 s1, $0x1;
	s10 =	sadd.s32 $0x2000, s3;
	vm0 =	vmmov $0x3;
	vm2 =	vcmask $0x3F30;
	vm1 =	vmmov $0xf  }
0xc: {  	s12 =	simm.s32 $0xB000;
	s13 =	simm.s32 $0x10400;
	s14 =	simm.s32 $0x12400;
	v1 =	vunpack.c.l.s4.s8 v0;
	v0 =	vlaneseq.u32;
	v2 =	vunpack.c.l.s4.s8 v2  }
0xd: {  	s15 =	simm.s32 $0xC500;
	s16 =	simm.s32 $0x11400;
	s17 =	simm.s32 $0xDA00;
	v4 =	vunpack.c.l.s4.s8 v4;
	v5 =	vunpack.c.l.s4.s8 v5;
	v7 =	vunpack.c.l.s2.s4 v7  }
0xe: {  	s18 =	simm.s32 $0xEF00;
	s19 =	simm.s32 $0x13480;
	s5 =	sand.u32 $0x1, s5;
	v6 =	vunpack.c.l.s4.s8 v6;
	v8 =	vunpack.c.l.s4.s8 v8;
	v3 =	vunpack.c.0.s8.s32 v1  }
0xf: {  	s20 =	simm.s32 $0x12480;
	s21 =	simm.s32 $0x0;
	s7 =	sor.u32 s5, s7;
	v1 =	vimm.s32 $0x0;
	v4 =	vunpack.c.0.s8.s32 v4;
	v7 =	vunpack.c.l.s4.s8 v7  }
0x10: {  	s29 =	ssub.s32 $0x2, s5;
	s8 =	sshll.u32 s7, $0xA;
	s9 =	sshll.u32 s7, $0x9;
	v2 =	vunpack.c.0.s8.s32 v2;
	v5 =	vunpack.c.0.s8.s32 v5;
	v6 =	vunpack.c.0.s8.s32 v6  }
0x11: {  	s30 =	sshll.u32 s7, $0x7;
	s31 =	sshrl.u32 s29, $0x1;
	s7 =	sshll.u32 s7, $0xC;
	v3 =	vand.u32 $0xF, v3;
	v4 =	vand.u32 $0xF, v4;
	v7 =	vunpack.c.0.s8.s32 v7  }
0x12: {  	s8 =	sadd.s32 s8, s3;
	s11 =	sadd.s32 s9, s3;
	s4 =	sadd.s32 s4, s9;
	v4 =	vcombine.low v5, v4;
	v5 =	vunpack.c.0.s8.s32 v8;
	v8 =	vimm.s32 $0x7060504  }
0x13: {  	s6 =	sadd.s32 s6, s30;
	s7 =	sadd.s32 s10, s7;
	s9 =	simm.s32 $0x1;
	v6 =	vand.u32 $0xF, v6;
	v2 =	vcombine.low v2, v3;
	v8 =	vunpack.c.0.s8.s32 v8  }
0x14: {  	s10 =	simm.s32 $0x8000;
	s3 =	sadd.s32 $0xA000, s8;
	s8 =	ssub.s32 s29, s31;
	v3 =	vmul.u32 $0x150, v0;
	v7 =	vand.u32 $0x3, v7;
	v5 =	vcombine.low v5, v6  }
0x15: {  	s5 =	sadd.s32 $0xC000, s11;
	s11 =	simm.s32 $0xA000;
	s8 =	smax.u32 s8, $0x1;
	v6 =	vimm.s32 $0x1;
	v7 =	vsel vm2, v8, v7;
	vm2 =	vmmov $0xff  }
.LBB2_2:
0x16: {  	s23 =	simm.s32 $0x0  }
0x17: {  	[tilespmem:s23], [sflag:$0x1] =	stream.linear.gather [hbm4b:s7+s23], $0x8000, $0x38;
	[tilespmem:$0x13880] =	vst v63  }
0x18: {  	_ =	swait.ge [sflag:s9], $0x8000  }
0x19: {  	[sflag:s9] =	ssyncset.done $0x0  }
0x1a: {  	[sflag:s9] =	ssyncadd.s32 $0xFFFF8000  }
0x1b: {  	[tilespmem:s10], [sflag:$0x1] =	stream.linear.gather [hbm4b:s3+s23], $0x2000, $0x38;
	[tilespmem:$0x13880] =	vst v63  }
0x1c: {  	_ =	swait.ge [sflag:s9], $0x2000  }
0x1d: {  	[sflag:s9] =	ssyncset.done $0x0  }
0x1e: {  	[sflag:s9] =	ssyncadd.s32 $0xFFFFE000  }
0x1f: {  	[tilespmem:s11], [sflag:$0x1] =	stream.linear.gather [hbm4b:s4+s23], $0x1000, $0x38;
	[tilespmem:$0x13880] =	vst v63  }
0x20: {  	s22 =	sand.u32 $0x1F000, s23;
	_ =	swait.ge [sflag:s9], $0x1000  }
0x21: {  	s24 =	sand.u32 $0x70, s23;
	s22 =	sshrl.u32 s22, $0x2;
	[sflag:s9] =	ssyncset.done $0x0  }
0x22: {  	s22 =	sor.u32 s24, s22;
	[sflag:s9] =	ssyncadd.s32 $0xFFFFF000  }
0x23: {  	v8 =	vld [tilespmem:s22+$0x0];
	_ =	sdelay $0x3  }
0x24: {  	s29 =	simm.s32 $0x20;
	s26 =	simm.s32 $0x10;
	s24 =	simm.s32 $0x200  }
0x25: {  	s28 =	simm.s32 $0xB000;
	s25 =	sand.u32 $0x1F000, s24;
	s22 =	simm.s32 $0x10;
	v8 =	vxor.u32 $0xFFFFFFFF, v8  }
0x26: {  	s31 =	sshrl.u32 s25, $0x2;
	s25 =	simm.s32 $0xC500;
	s30 =	sand.u32 $0x70, s22;
	[tilespmem:s12+$0x0] =	vst v8;
	v8 =	vor.u32 s23, v0  }
.LBB2_3:
0x27: {  	p0 =	sne.s32 s29, $0xFF0;
	s30 =	sor.u32 s30, s31;
	[tilespmem:s25+$0x0] =	vst v8;
	s0 =	smov.u32 s26  }
0x28: {  	s26 =	smov.u32 s29;
	v8 =	vld [tilespmem:s30+$0x0];
	_ =	sdelay $0x1  }
.Ltmp1:
0x29: {  	(pc) =	sbr.rel @p0 .LBB2_3-.Ltmp1, $4  }
0x2a: {  	_ = 	snop  }
0x2b: {  	s24 =	sadd.s32 $0x200, s24  }
0x2c: {  	s28 =	sadd.s32 $0x10, s28;
	s25 =	sadd.s32 $0x10, s25;
	s31 =	sand.u32 $0x1F000, s24;
	v8 =	vxor.u32 $0xFFFFFFFF, v8  }
0x2d: {  	s29 =	sadd.s32 $0x10, s29;
	s30 =	sand.u32 $0x70, s26;
	s31 =	sshrl.u32 s31, $0x2;
	[tilespmem:s28+$0x0] =	vst v8;
	v8 =	vor.u32 s0, v0  }
0x2e: {  	s0 =	sor.u32 s30, s31;
	[tilespmem:s25+$0x0] =	vst v8  }
0x2f: {  	v8 =	vld [tilespmem:s0+$0x0];
	_ =	sdelay $0x4  }
0x30: {  	s31 =	sadd.s32 $0x10, s28;
	v8 =	vxor.u32 $0xFFFFFFFF, v8  }
0x31: {  	s24 =	sadd.s32 $0x10, s25;
	s29 =	sand.u32 $0x1C00, s23;
	[tilespmem:s31+$0x0] =	vst v8;
	v8 =	vor.u32 s26, v0;
	s26 =	sand.u32 $0x70, s23  }
0x32: {  	[tilespmem:s24+$0x0] =	vst v8;
	s0 =	sor.u32 s26, s29  }
0x33: {  	v8 =	vld [tilespmem:s0+$0x8000];
	_ =	sdelay $0x4  }
0x34: {  	s30 =	simm.s32 $0x1000;
	s25 =	simm.s32 $0x80;
	s24 =	simm.s32 $0xC000;
	v8 =	vxor.u32 $0xFFFFFFFF, v8  }
0x35: {  	s28 =	sand.u32 $0x1C00, s25;
	s23 =	simm.s32 $0xD500;
	s31 =	sand.u32 $0x70, s22;
	[tilespmem:s24+$0x0] =	vst v8;
	v8 =	vor.u32 s30, v0  }
0x36: {  	s28 =	sor.u32 s31, s28;
	s26 =	simm.s32 $0x20;
	[tilespmem:s23+$0x0] =	vst v8  }
.LBB2_5:
0x37: {  	p0 =	sne.s32 s26, $0x3F0;
	v8 =	vld [tilespmem:s28+$0x8000];
	_ =	sdelay $0x2  }
.Ltmp2:
0x38: {  	(pc) =	sbr.rel @p0 .LBB2_5-.Ltmp2, $4  }
0x39: {  	_ = 	snop  }
0x3a: {  	s0 =	sadd.s32 $0x1000, s22;
	s25 =	sadd.s32 $0x80, s25;
	s24 =	sadd.s32 $0x10, s24;
	v8 =	vxor.u32 $0xFFFFFFFF, v8  }
0x3b: {  	s22 =	sand.u32 $0x70, s26;
	s23 =	sadd.s32 $0x10, s23;
	s28 =	sand.u32 $0x1C00, s25;
	[tilespmem:s24+$0x0] =	vst v8;
	v8 =	vor.u32 s0, v0  }
0x3c: {  	s28 =	sor.u32 s22, s28;
	s22 =	smov.u32 s26;
	s26 =	sadd.s32 $0x10, s26;
	[tilespmem:s23+$0x0] =	vst v8  }
0x3d: {  	v8 =	vld [tilespmem:s28+$0x8000];
	_ =	sdelay $0x3  }
0x3e: {  	s0 =	sadd.s32 $0x1000, s22;
	s31 =	simm.s32 $0x0  }
0x3f: {  	s24 =	sadd.s32 $0x10, s24;
	s25 =	simm.s32 $0x0;
	s22 =	sand.u32 $0x3000, s31;
	v8 =	vxor.u32 $0xFFFFFFFF, v8  }
0x40: {  	s26 =	sand.u32 $0x30, s25;
	s22 =	sshrl.u32 s22, $0x2;
	[tilespmem:s24+$0x0] =	vst v8;
	v8 =	vor.u32 s0, v0;
	s24 =	sadd.s32 $0x10, s23  }
0x41: {  	s30 =	sor.u32 s26, s22;
	[tilespmem:s24+$0x0] =	vst v8  }
0x42: {  	v8 =	vld [tilespmem:s30+$0xA000];
	_ =	sdelay $0x2  }
0x43: {  	s25 =	simm.s32 $0x400  }
0x44: {  	s31 =	simm.s32 $0x1400;
	s29 =	sand.u32 $0x3000, s25;
	s22 =	simm.s32 $0xD900  }
0x45: {  	s26 =	simm.s32 $0x10;
	s29 =	sshrl.u32 s29, $0x2;
	s23 =	simm.s32 $0xC400;
	v8 =	vxor.u32 $0xFFFFFFFF, v8  }
0x46: {  	s28 =	sand.u32 $0x30, s26;
	s26 =	simm.s32 $0x1420;
	s24 =	simm.s32 $0x1410;
	[tilespmem:s23+$0x0] =	vst v8;
	v8 =	vor.u32 s31, v0  }
.LBB2_7:
0x47: {  	p0 =	sne.s32 s26, $0x14F0;
	s0 =	sor.u32 s28, s29;
	[tilespmem:s22+$0x0] =	vst v8;
	s30 =	smov.u32 s24  }
0x48: {  	s24 =	smov.u32 s26;
	v8 =	vld [tilespmem:s0+$0xA000];
	_ =	sdelay $0x1  }
.Ltmp3:
0x49: {  	(pc) =	sbr.rel @p0 .LBB2_7-.Ltmp3, $4  }
0x4a: {  	_ = 	snop  }
0x4b: {  	s25 =	sadd.s32 $0x400, s25;
	s23 =	sadd.s32 $0x10, s23  }
0x4c: {  	s22 =	sadd.s32 $0x10, s22;
	s0 =	sadd.s32 $0xFFFFEC00, s26;
	s29 =	sand.u32 $0x3000, s25;
	v8 =	vxor.u32 $0xFFFFFFFF, v8  }
0x4d: {  	s26 =	sadd.s32 $0x10, s26;
	s28 =	sand.u32 $0x30, s0;
	s29 =	sshrl.u32 s29, $0x2;
	[tilespmem:s23+$0x0] =	vst v8;
	v8 =	vor.u32 s30, v0  }
0x4e: {  	s0 =	sor.u32 s28, s29;
	[tilespmem:s22+$0x0] =	vst v8  }
0x4f: {  	v8 =	vld [tilespmem:s0+$0xA000];
	_ =	sdelay $0x4  }
0x50: {  	s30 =	sadd.s32 $0x10, s23;
	v8 =	vxor.u32 $0xFFFFFFFF, v8  }
0x51: {  	s31 =	sadd.s32 $0x10, s22;
	[tilespmem:s30+$0x0] =	vst v8;
	v8 =	vor.u32 s24, v0  }
0x52: {  	s22 =	simm.s32 $0x40;
	s24 =	simm.s32 $0x0;
	[tilespmem:s31+$0x0] =	vst v8  }
.LBB2_9:
0x53: {  	p0 =	sne.s32 s22, $0x3FC0;
	[tilespmem:s24+$0x10400] =	vst v1;
	s0 =	smov.u32 s22;
	s22 =	sadd.s32 $0x40, s22  }
.Ltmp4:
0x54: {  	(pc) =	sbr.rel @p0 .LBB2_9-.Ltmp4, $2  }
0x55: {  	_ =	sdelay $0x2  }
0x56: {  	s24 =	sshra.s32 s0, $0x2  }
0x57: {  	s23 =	simm.s32 $0x0  }
0x58: {  	v8 =	vadd.s32 s23, v3;
	_ =	sdelay $0x3  }
0x59: {  	[tilespmem:s24+$0x10400] =	vst v1  }
0x5a: {  	v8 =	vld.idx.msk [tilespmem:v8+s12+$0x0], $0xffff;
	_ =	sdelay $0x4  }
0x5b: {  	v8 =	vshll.u32 v8, $0x4  }
0x5c: {  	v8 =	vor.u32 v0, v8  }
0x5d: {  	s0 =	simm.s32 $0x1;
	v8 =	vand.u32 $0xFFF, v8  }
0x5e: {  	s22 =	simm.s32 $0x2;
	v9 =	vadd.s32 s0, v3  }
.LBB2_11:
0x5f: {  	p0 =	sne.s32 s22, $0x14F;
	_ =	sdelay $0x2  }
0x60: {  	[tilespmem:v8+s13+$0x0] =	vst.idx.add.s32.msk $0xffff, v6  }
0x61: {  	v8 =	vld.idx.msk [tilespmem:v9+s12+$0x0], $0xffff;
	_ =	sdelay $0x4  }
.Ltmp5:
0x62: {  	(pc) =	sbr.rel @p0 .LBB2_11-.Ltmp5, $4  }
0x63: {  	v8 =	vshll.u32 v8, $0x4  }
0x64: {  	v8 =	vor.u32 v0, v8  }
0x65: {  	v8 =	vand.u32 $0xFFF, v8  }
0x66: {  	v9 =	vadd.s32 s22, v3;
	s22 =	sadd.s32 $0x1, s22  }
0x67: {  	_ =	sdelay $0x3  }
0x68: {  	[tilespmem:v8+s13+$0x0] =	vst.idx.add.s32.msk $0xffff, v6  }
0x69: {  	v8 =	vld.idx.msk [tilespmem:v9+s12+$0x0], $0xffff;
	_ =	sdelay $0x4  }
0x6a: {  	v8 =	vshll.u32 v8, $0x4  }
0x6b: {  	v8 =	vor.u32 v0, v8  }
0x6c: {  	v8 =	vand.u32 $0xFFF, v8;
	_ =	sdelay $0x4  }
0x6d: {  	s22 =	simm.s32 $0x0;
	[tilespmem:v8+s13+$0x0] =	vst.idx.add.s32.msk $0xffff, v6  }
0x6e: {  	v8 =	vld [tilespmem:s22+$0x10400];
	_ =	sdelay $0x4  }
0x6f: {  	[tilespmem:$0x12400] =	vst v8  }
0x70: {  	v9 =	vld.idx.msk [tilespmem:v2+s14+$0x0], $0xffff;
	_ =	sdelay $0x3  }
0x71: {  	vm3 =	veq.s32 v0, $0x0  }
0x72: {  	v9 =	vsel vm3, $0x0, v9  }
0x73: {  	(xrf0) =	vadd.scan.msk.s32 $0xffff, v8;
	v9 =	vadd.s32 v8, v9  }
0x74: {  	[tilespmem:$0x12400] =	vst v9  }
0x75: {  	v10 =	vld.idx.msk [tilespmem:v4+s14+$0x0], $0xffff;
	_ =	sdelay $0x3  }
0x76: {  	v11, _, _ =	vpop (xrf0)  }
0x77: {  	(v2sf) =	vpush v11, $0xF;
	v10 =	vsel vm0, $0x0, v10  }
0x78: {  	v9 =	vadd.s32 v9, v10  }
0x79: {  	[tilespmem:$0x12400] =	vst v9  }
0x7a: {  	v10 =	vld.idx.msk [tilespmem:v5+s14+$0x0], $0xffff;
	_ =	sdelay $0x4  }
0x7b: {  	v10 =	vsel vm1, $0x0, v10  }
0x7c: {  	v9 =	vadd.s32 v9, v10  }
0x7d: {  	[tilespmem:$0x12400] =	vst v9  }
0x7e: {  	v10 =	vld.idx.msk [tilespmem:v7+s14+$0x0], $0xffff;
	_ =	sdelay $0x2  }
0x7f: {  	s26 =	simm.s32 $0x10;
	v8 =	vsub.s32 s23, v8  }
0x80: {  	s0 =	spop (v2sf);
	v9 =	vadd.s32 v9, v8;
	v8 =	vld [tilespmem:s26+$0x10400]  }
0x81: {  	s24 =	sadd.s32 $0x0, s0;
	v10 =	vsel vm2, $0x0, v10  }
0x82: {  	s25 =	simm.s32 $0x80;
	s23 =	smov.u32 s24;
	v9 =	vadd.s32 v10, v9  }
.LBB2_13:
0x83: {  	p0 =	sne.s32 s25, $0x3FC0  }
0x84: {  	[tilespmem:s22+$0x11400] =	vst v9;
	s0 =	smov.u32 s25;
	s25 =	sadd.s32 $0x40, s25;
	s22 =	smov.u32 s26  }
0x85: {  	[tilespmem:$0x12400] =	vst v8;
	(xrf0) =	vadd.scan.msk.s32 $0xffff, v8;
	v9 =	vmov v8  }
0x86: {  	v8 =	vld.idx.msk [tilespmem:v2+s14+$0x0], $0xffff;
	_ =	sdelay $0x4  }
0x87: {  	v10, _, _ =	vpop (xrf0)  }
0x88: {  	v8 =	vsel vm3, $0x0, v8;
	(v2sf) =	vpush v10, $0xF  }
0x89: {  	v8 =	vadd.s32 v9, v8  }
0x8a: {  	[tilespmem:$0x12400] =	vst v8  }
0x8b: {  	v10 =	vld.idx.msk [tilespmem:v4+s14+$0x0], $0xffff;
	_ =	sdelay $0x5  }
0x8c: {  	v10 =	vsel vm0, $0x0, v10  }
0x8d: {  	v8 =	vadd.s32 v8, v10  }
0x8e: {  	[tilespmem:$0x12400] =	vst v8  }
0x8f: {  	v10 =	vld.idx.msk [tilespmem:v5+s14+$0x0], $0xffff;
	_ =	sdelay $0x2  }
0x90: {  	s26 =	spop (v2sf)  }
0x91: {  	s24 =	sadd.s32 s24, s26;
	_ =	sdelay $0x1  }
0x92: {  	v10 =	vsel vm1, $0x0, v10  }
0x93: {  	v10 =	vadd.s32 v8, v10  }
0x94: {  	[tilespmem:$0x12400] =	vst v10  }
0x95: {  	v11 =	vld.idx.msk [tilespmem:v7+s14+$0x0], $0xffff;
	_ =	sdelay $0x2  }
.Ltmp6:
0x96: {  	s26 =	sshra.s32 s0, $0x2;
	(pc) =	sbr.rel @p0 .LBB2_13-.Ltmp6, $4  }
0x97: {  	v8 =	vld [tilespmem:s26+$0x10400]  }
0x98: {  	v9 =	vsub.s32 s23, v9;
	s23 =	smov.u32 s24  }
0x99: {  	v9 =	vadd.s32 v10, v9;
	v11 =	vsel vm2, $0x0, v11  }
0x9a: {  	v9 =	vadd.s32 v11, v9  }
0x9b: {  	_ =	sdelay $0x1  }
0x9c: {  	[tilespmem:s22+$0x11400] =	vst v9  }
0x9d: {  	[tilespmem:$0x12400] =	vst v8  }
0x9e: {  	v9 =	vld.idx.msk [tilespmem:v2+s14+$0x0], $0xffff;
	_ =	sdelay $0x3  }
0x9f: {  	vm3 =	veq.s32 v0, $0x0  }
0xa0: {  	v9 =	vsel vm3, $0x0, v9  }
0xa1: {  	v9 =	vadd.s32 v8, v9  }
0xa2: {  	[tilespmem:$0x12400] =	vst v9  }
0xa3: {  	v10 =	vld.idx.msk [tilespmem:v4+s14+$0x0], $0xffff;
	_ =	sdelay $0x4  }
0xa4: {  	v10 =	vsel vm0, $0x0, v10  }
0xa5: {  	v9 =	vadd.s32 v9, v10  }
0xa6: {  	[tilespmem:$0x12400] =	vst v9  }
0xa7: {  	v10 =	vld.idx.msk [tilespmem:v5+s14+$0x0], $0xffff;
	_ =	sdelay $0x4  }
0xa8: {  	v10 =	vsel vm1, $0x0, v10  }
0xa9: {  	v9 =	vadd.s32 v9, v10  }
0xaa: {  	[tilespmem:$0x12400] =	vst v9  }
0xab: {  	v10 =	vld.idx.msk [tilespmem:v7+s14+$0x0], $0xffff;
	_ =	sdelay $0x1  }
0xac: {  	s0 =	simm.s32 $0x0  }
0xad: {  	v12 =	vadd.s32 s0, v3  }
0xae: {  	v11 =	vsub.s32 s23, v8  }
0xaf: {  	v9 =	vadd.s32 v9, v11;
	v10 =	vsel vm2, $0x0, v10  }
0xb0: {  	(xrf0) =	vadd.scan.msk.s32 $0xffff, v8;
	v8 =	vadd.s32 v10, v9  }
0xb1: {  	[tilespmem:s26+$0x11400] =	vst v8  }
0xb2: {  	v13 =	vld.idx.msk [tilespmem:v12+s12+$0x0], $0xffff;
	_ =	sdelay $0x3  }
0xb3: {  	v8, _, _ =	vpop (xrf0)  }
0xb4: {  	(v2sf) =	vpush v8, $0xF;
	v8 =	vshll.u32 v13, $0x4  }
0xb5: {  	v8 =	vor.u32 v0, v8  }
0xb6: {  	v9 =	vand.u32 $0xFFF, v8;
	_ =	sdelay $0x4  }
0xb7: {  	v11 =	vld.idx.msk [tilespmem:v9+s16+$0x0], $0xffff;
	_ =	sdelay $0x3  }
0xb8: {  	v8 =	vld.idx.msk [tilespmem:v12+s15+$0x0], $0xffff  }
0xb9: {  	s30 =	simm.s32 $0x1  }
0xba: {  	v10 =	vadd.s32 s30, v3;
	_ =	sdelay $0x1  }
0xbb: {  	s22 =	simm.s32 $0x2;
	s31 =	spop (v2sf);
	[tilespmem:v11+s17+$0x0] =	vst.idx.msk $0xffff, v13  }
.LBB2_15:
0xbc: {  	p0 =	sne.s32 s22, $0x14F;
	[tilespmem:v11+s18+$0x0] =	vst.idx.msk $0xffff, v8  }
0xbd: {  	[tilespmem:v9+s16+$0x0] =	vst.idx.add.s32.msk $0xffff, v6  }
0xbe: {  	v12 =	vld.idx.msk [tilespmem:v10+s12+$0x0], $0xffff  }
0xbf: {  	v8 =	vld.idx.msk [tilespmem:v10+s15+$0x0], $0xffff;
	_ =	sdelay $0x4  }
0xc0: {  	v9 =	vshll.u32 v12, $0x4  }
0xc1: {  	v9 =	vor.u32 v0, v9  }
0xc2: {  	v9 =	vand.u32 $0xFFF, v9;
	_ =	sdelay $0x4  }
0xc3: {  	v11 =	vld.idx.msk [tilespmem:v9+s16+$0x0], $0xffff;
	_ =	sdelay $0x3  }
.Ltmp7:
0xc4: {  	(pc) =	sbr.rel @p0 .LBB2_15-.Ltmp7, $3  }
0xc5: {  	_ = 	snop  }
0xc6: {  	v10 =	vadd.s32 s22, v3;
	_ =	sdelay $0x1  }
0xc7: {  	s22 =	sadd.s32 $0x1, s22;
	[tilespmem:v11+s17+$0x0] =	vst.idx.msk $0xffff, v12  }
0xc8: {  	_ =	sdelay $0x3  }
0xc9: {  	[tilespmem:v11+s18+$0x0] =	vst.idx.msk $0xffff, v8  }
0xca: {  	[tilespmem:v9+s16+$0x0] =	vst.idx.add.s32.msk $0xffff, v6  }
0xcb: {  	v8 =	vld.idx.msk [tilespmem:v10+s12+$0x0], $0xffff;
	_ =	sdelay $0x4  }
0xcc: {  	v62 =	vshll.u32 v8, $0x4  }
0xcd: {  	v9 =	vor.u32 v0, v62  }
0xce: {  	v9 =	vand.u32 $0xFFF, v9;
	_ =	sdelay $0x4  }
0xcf: {  	v11 =	vld.idx.msk [tilespmem:v9+s16+$0x0], $0xffff;
	_ =	sdelay $0x3  }
0xd0: {  	v63 =	vld.idx.msk [tilespmem:v10+s15+$0x0], $0xffff;
	_ =	sdelay $0x3  }
0xd1: {  	[tilespmem:v11+s17+$0x0] =	vst.idx.msk $0xffff, v8  }
0xd2: {  	[tilespmem:v11+s18+$0x0] =	vst.idx.msk $0xffff, v63  }
0xd3: {  	s22 =	simm.s32 $0x40;
	s24 =	simm.s32 $0x0;
	[tilespmem:v9+s16+$0x0] =	vst.idx.add.s32.msk $0xffff, v6  }
.LBB2_17:
0xd4: {  	p0 =	sne.s32 s22, $0x3FC0;
	[tilespmem:s24+$0x10400] =	vst v1;
	s0 =	smov.u32 s22;
	s22 =	sadd.s32 $0x40, s22  }
.Ltmp8:
0xd5: {  	(pc) =	sbr.rel @p0 .LBB2_17-.Ltmp8, $2  }
0xd6: {  	_ =	sdelay $0x2  }
0xd7: {  	s24 =	sshra.s32 s0, $0x2  }
0xd8: {  	s23 =	simm.s32 $0x0  }
0xd9: {  	v8 =	vadd.s32 s23, v3;
	_ =	sdelay $0x3  }
0xda: {  	[tilespmem:s24+$0x10400] =	vst v1  }
0xdb: {  	v8 =	vld.idx.msk [tilespmem:v8+s17+$0x0], $0xffff;
	_ =	sdelay $0x4  }
0xdc: {  	v8 =	vshrl.u32 v8, $0x4  }
0xdd: {  	v8 =	vand.u32 $0xFF0, v8  }
0xde: {  	s0 =	simm.s32 $0x1;
	v8 =	vor.u32 v0, v8  }
0xdf: {  	s22 =	simm.s32 $0x2;
	v9 =	vadd.s32 s0, v3  }
.LBB2_19:
0xe0: {  	p0 =	sne.s32 s22, $0x14F;
	_ =	sdelay $0x2  }
0xe1: {  	[tilespmem:v8+s13+$0x0] =	vst.idx.add.s32.msk $0xffff, v6  }
0xe2: {  	v8 =	vld.idx.msk [tilespmem:v9+s17+$0x0], $0xffff;
	_ =	sdelay $0x4  }
.Ltmp9:
0xe3: {  	(pc) =	sbr.rel @p0 .LBB2_19-.Ltmp9, $4  }
0xe4: {  	v8 =	vshrl.u32 v8, $0x4  }
0xe5: {  	v8 =	vand.u32 $0xFF0, v8  }
0xe6: {  	v8 =	vor.u32 v0, v8  }
0xe7: {  	v9 =	vadd.s32 s22, v3;
	s22 =	sadd.s32 $0x1, s22  }
0xe8: {  	_ =	sdelay $0x3  }
0xe9: {  	[tilespmem:v8+s13+$0x0] =	vst.idx.add.s32.msk $0xffff, v6  }
0xea: {  	v8 =	vld.idx.msk [tilespmem:v9+s17+$0x0], $0xffff;
	_ =	sdelay $0x4  }
0xeb: {  	v8 =	vshrl.u32 v8, $0x4  }
0xec: {  	v8 =	vand.u32 $0xFF0, v8  }
0xed: {  	v8 =	vor.u32 v0, v8;
	_ =	sdelay $0x4  }
0xee: {  	s22 =	simm.s32 $0x0;
	[tilespmem:v8+s13+$0x0] =	vst.idx.add.s32.msk $0xffff, v6  }
0xef: {  	v8 =	vld [tilespmem:s22+$0x10400];
	_ =	sdelay $0x4  }
0xf0: {  	[tilespmem:$0x12400] =	vst v8  }
0xf1: {  	v9 =	vld.idx.msk [tilespmem:v2+s14+$0x0], $0xffff;
	_ =	sdelay $0x3  }
0xf2: {  	vm3 =	veq.s32 v0, $0x0  }
0xf3: {  	v9 =	vsel vm3, $0x0, v9  }
0xf4: {  	(xrf0) =	vadd.scan.msk.s32 $0xffff, v8;
	v9 =	vadd.s32 v8, v9  }
0xf5: {  	[tilespmem:$0x12400] =	vst v9  }
0xf6: {  	v10 =	vld.idx.msk [tilespmem:v4+s14+$0x0], $0xffff;
	_ =	sdelay $0x3  }
0xf7: {  	v11, _, _ =	vpop (xrf0)  }
0xf8: {  	(v2sf) =	vpush v11, $0xF;
	v10 =	vsel vm0, $0x0, v10  }
0xf9: {  	v9 =	vadd.s32 v9, v10  }
0xfa: {  	[tilespmem:$0x12400] =	vst v9  }
0xfb: {  	v10 =	vld.idx.msk [tilespmem:v5+s14+$0x0], $0xffff;
	_ =	sdelay $0x4  }
0xfc: {  	v10 =	vsel vm1, $0x0, v10  }
0xfd: {  	v9 =	vadd.s32 v9, v10  }
0xfe: {  	[tilespmem:$0x12400] =	vst v9  }
0xff: {  	v10 =	vld.idx.msk [tilespmem:v7+s14+$0x0], $0xffff;
	_ =	sdelay $0x2  }
0x100: {  	s26 =	simm.s32 $0x10;
	v8 =	vsub.s32 s23, v8  }
0x101: {  	s0 =	spop (v2sf);
	v9 =	vadd.s32 v9, v8;
	v8 =	vld [tilespmem:s26+$0x10400]  }
0x102: {  	s24 =	sadd.s32 $0x0, s0;
	v10 =	vsel vm2, $0x0, v10  }
0x103: {  	s25 =	simm.s32 $0x80;
	s23 =	smov.u32 s24;
	v9 =	vadd.s32 v10, v9  }
.LBB2_21:
0x104: {  	p0 =	sne.s32 s25, $0x3FC0  }
0x105: {  	[tilespmem:s22+$0x11400] =	vst v9;
	s0 =	smov.u32 s25;
	s25 =	sadd.s32 $0x40, s25;
	s22 =	smov.u32 s26  }
0x106: {  	[tilespmem:$0x12400] =	vst v8;
	(xrf0) =	vadd.scan.msk.s32 $0xffff, v8;
	v9 =	vmov v8  }
0x107: {  	v8 =	vld.idx.msk [tilespmem:v2+s14+$0x0], $0xffff;
	_ =	sdelay $0x4  }
0x108: {  	v10, _, _ =	vpop (xrf0)  }
0x109: {  	v8 =	vsel vm3, $0x0, v8;
	(v2sf) =	vpush v10, $0xF  }
0x10a: {  	v8 =	vadd.s32 v9, v8  }
0x10b: {  	[tilespmem:$0x12400] =	vst v8  }
0x10c: {  	v10 =	vld.idx.msk [tilespmem:v4+s14+$0x0], $0xffff;
	_ =	sdelay $0x5  }
0x10d: {  	v10 =	vsel vm0, $0x0, v10  }
0x10e: {  	v8 =	vadd.s32 v8, v10  }
0x10f: {  	[tilespmem:$0x12400] =	vst v8  }
0x110: {  	v10 =	vld.idx.msk [tilespmem:v5+s14+$0x0], $0xffff;
	_ =	sdelay $0x2  }
0x111: {  	s26 =	spop (v2sf)  }
0x112: {  	s24 =	sadd.s32 s24, s26;
	_ =	sdelay $0x1  }
0x113: {  	v10 =	vsel vm1, $0x0, v10  }
0x114: {  	v10 =	vadd.s32 v8, v10  }
0x115: {  	[tilespmem:$0x12400] =	vst v10  }
0x116: {  	v11 =	vld.idx.msk [tilespmem:v7+s14+$0x0], $0xffff;
	_ =	sdelay $0x2  }
.Ltmp10:
0x117: {  	s26 =	sshra.s32 s0, $0x2;
	(pc) =	sbr.rel @p0 .LBB2_21-.Ltmp10, $4  }
0x118: {  	v8 =	vld [tilespmem:s26+$0x10400]  }
0x119: {  	v9 =	vsub.s32 s23, v9;
	s23 =	smov.u32 s24  }
0x11a: {  	v9 =	vadd.s32 v10, v9;
	v11 =	vsel vm2, $0x0, v11  }
0x11b: {  	v9 =	vadd.s32 v11, v9  }
0x11c: {  	_ =	sdelay $0x1  }
0x11d: {  	[tilespmem:s22+$0x11400] =	vst v9  }
0x11e: {  	[tilespmem:$0x12400] =	vst v8  }
0x11f: {  	v9 =	vld.idx.msk [tilespmem:v2+s14+$0x0], $0xffff;
	_ =	sdelay $0x3  }
0x120: {  	vm3 =	veq.s32 v0, $0x0  }
0x121: {  	v9 =	vsel vm3, $0x0, v9  }
0x122: {  	v9 =	vadd.s32 v8, v9  }
0x123: {  	[tilespmem:$0x12400] =	vst v9  }
0x124: {  	v10 =	vld.idx.msk [tilespmem:v4+s14+$0x0], $0xffff;
	_ =	sdelay $0x4  }
0x125: {  	v10 =	vsel vm0, $0x0, v10  }
0x126: {  	v9 =	vadd.s32 v9, v10  }
0x127: {  	[tilespmem:$0x12400] =	vst v9  }
0x128: {  	v10 =	vld.idx.msk [tilespmem:v5+s14+$0x0], $0xffff;
	_ =	sdelay $0x4  }
0x129: {  	v10 =	vsel vm1, $0x0, v10  }
0x12a: {  	v9 =	vadd.s32 v9, v10  }
0x12b: {  	[tilespmem:$0x12400] =	vst v9  }
0x12c: {  	v10 =	vld.idx.msk [tilespmem:v7+s14+$0x0], $0xffff;
	_ =	sdelay $0x1  }
0x12d: {  	s0 =	simm.s32 $0x0  }
0x12e: {  	v12 =	vadd.s32 s0, v3  }
0x12f: {  	v11 =	vsub.s32 s23, v8  }
0x130: {  	v9 =	vadd.s32 v9, v11;
	v10 =	vsel vm2, $0x0, v10  }
0x131: {  	(xrf0) =	vadd.scan.msk.s32 $0xffff, v8;
	v8 =	vadd.s32 v10, v9  }
0x132: {  	[tilespmem:s26+$0x11400] =	vst v8  }
0x133: {  	v13 =	vld.idx.msk [tilespmem:v12+s17+$0x0], $0xffff;
	_ =	sdelay $0x3  }
0x134: {  	v8, _, _ =	vpop (xrf0)  }
0x135: {  	(v2sf) =	vpush v8, $0xF;
	v8 =	vshrl.u32 v13, $0x4  }
0x136: {  	v8 =	vand.u32 $0xFF0, v8  }
0x137: {  	v9 =	vor.u32 v0, v8;
	_ =	sdelay $0x4  }
0x138: {  	v11 =	vld.idx.msk [tilespmem:v9+s16+$0x0], $0xffff;
	_ =	sdelay $0x3  }
0x139: {  	v8 =	vld.idx.msk [tilespmem:v12+s18+$0x0], $0xffff  }
0x13a: {  	s30 =	simm.s32 $0x1  }
0x13b: {  	v10 =	vadd.s32 s30, v3;
	_ =	sdelay $0x1  }
0x13c: {  	s22 =	simm.s32 $0x2;
	s31 =	spop (v2sf);
	[tilespmem:v11+s12+$0x0] =	vst.idx.msk $0xffff, v13  }
.LBB2_23:
0x13d: {  	p0 =	sne.s32 s22, $0x14F;
	[tilespmem:v11+s15+$0x0] =	vst.idx.msk $0xffff, v8  }
0x13e: {  	[tilespmem:v9+s16+$0x0] =	vst.idx.add.s32.msk $0xffff, v6  }
0x13f: {  	v12 =	vld.idx.msk [tilespmem:v10+s17+$0x0], $0xffff  }
0x140: {  	v8 =	vld.idx.msk [tilespmem:v10+s18+$0x0], $0xffff;
	_ =	sdelay $0x4  }
0x141: {  	v9 =	vshrl.u32 v12, $0x4  }
0x142: {  	v9 =	vand.u32 $0xFF0, v9  }
0x143: {  	v9 =	vor.u32 v0, v9;
	_ =	sdelay $0x4  }
0x144: {  	v11 =	vld.idx.msk [tilespmem:v9+s16+$0x0], $0xffff;
	_ =	sdelay $0x3  }
.Ltmp11:
0x145: {  	(pc) =	sbr.rel @p0 .LBB2_23-.Ltmp11, $3  }
0x146: {  	_ = 	snop  }
0x147: {  	v10 =	vadd.s32 s22, v3;
	_ =	sdelay $0x1  }
0x148: {  	s22 =	sadd.s32 $0x1, s22;
	[tilespmem:v11+s12+$0x0] =	vst.idx.msk $0xffff, v12  }
0x149: {  	_ =	sdelay $0x3  }
0x14a: {  	[tilespmem:v11+s15+$0x0] =	vst.idx.msk $0xffff, v8  }
0x14b: {  	[tilespmem:v9+s16+$0x0] =	vst.idx.add.s32.msk $0xffff, v6  }
0x14c: {  	v8 =	vld.idx.msk [tilespmem:v10+s17+$0x0], $0xffff;
	_ =	sdelay $0x4  }
0x14d: {  	v62 =	vshrl.u32 v8, $0x4  }
0x14e: {  	v9 =	vand.u32 $0xFF0, v62  }
0x14f: {  	v9 =	vor.u32 v0, v9;
	_ =	sdelay $0x4  }
0x150: {  	v11 =	vld.idx.msk [tilespmem:v9+s16+$0x0], $0xffff;
	_ =	sdelay $0x3  }
0x151: {  	v63 =	vld.idx.msk [tilespmem:v10+s18+$0x0], $0xffff;
	_ =	sdelay $0x3  }
0x152: {  	[tilespmem:v11+s12+$0x0] =	vst.idx.msk $0xffff, v8  }
0x153: {  	[tilespmem:v11+s15+$0x0] =	vst.idx.msk $0xffff, v63  }
0x154: {  	s22 =	simm.s32 $0x40;
	s24 =	simm.s32 $0x0;
	[tilespmem:v9+s16+$0x0] =	vst.idx.add.s32.msk $0xffff, v6  }
.LBB2_25:
0x155: {  	p0 =	sne.s32 s22, $0x3FC0;
	[tilespmem:s24+$0x10400] =	vst v1;
	s0 =	smov.u32 s22;
	s22 =	sadd.s32 $0x40, s22  }
.Ltmp12:
0x156: {  	(pc) =	sbr.rel @p0 .LBB2_25-.Ltmp12, $2  }
0x157: {  	_ =	sdelay $0x2  }
0x158: {  	s24 =	sshra.s32 s0, $0x2  }
0x159: {  	s23 =	simm.s32 $0x0  }
0x15a: {  	v8 =	vadd.s32 s23, v3;
	_ =	sdelay $0x3  }
0x15b: {  	[tilespmem:s24+$0x10400] =	vst v1  }
0x15c: {  	v8 =	vld.idx.msk [tilespmem:v8+s12+$0x0], $0xffff;
	_ =	sdelay $0x4  }
0x15d: {  	v8 =	vshrl.u32 v8, $0xC  }
0x15e: {  	v8 =	vand.u32 $0xFF0, v8  }
0x15f: {  	s0 =	simm.s32 $0x1;
	v8 =	vor.u32 v0, v8  }
0x160: {  	s22 =	simm.s32 $0x2;
	v9 =	vadd.s32 s0, v3  }
.LBB2_27:
0x161: {  	p0 =	sne.s32 s22, $0x14F;
	_ =	sdelay $0x2  }
0x162: {  	[tilespmem:v8+s13+$0x0] =	vst.idx.add.s32.msk $0xffff, v6  }
0x163: {  	v8 =	vld.idx.msk [tilespmem:v9+s12+$0x0], $0xffff;
	_ =	sdelay $0x4  }
.Ltmp13:
0x164: {  	(pc) =	sbr.rel @p0 .LBB2_27-.Ltmp13, $4  }
0x165: {  	v8 =	vshrl.u32 v8, $0xC  }
0x166: {  	v8 =	vand.u32 $0xFF0, v8  }
0x167: {  	v8 =	vor.u32 v0, v8  }
0x168: {  	v9 =	vadd.s32 s22, v3;
	s22 =	sadd.s32 $0x1, s22  }
0x169: {  	_ =	sdelay $0x3  }
0x16a: {  	[tilespmem:v8+s13+$0x0] =	vst.idx.add.s32.msk $0xffff, v6  }
0x16b: {  	v8 =	vld.idx.msk [tilespmem:v9+s12+$0x0], $0xffff;
	_ =	sdelay $0x4  }
0x16c: {  	v8 =	vshrl.u32 v8, $0xC  }
0x16d: {  	v8 =	vand.u32 $0xFF0, v8  }
0x16e: {  	v8 =	vor.u32 v0, v8;
	_ =	sdelay $0x4  }
0x16f: {  	s22 =	simm.s32 $0x0;
	[tilespmem:v8+s13+$0x0] =	vst.idx.add.s32.msk $0xffff, v6  }
0x170: {  	v8 =	vld [tilespmem:s22+$0x10400];
	_ =	sdelay $0x4  }
0x171: {  	[tilespmem:$0x12400] =	vst v8  }
0x172: {  	v9 =	vld.idx.msk [tilespmem:v2+s14+$0x0], $0xffff;
	_ =	sdelay $0x3  }
0x173: {  	vm3 =	veq.s32 v0, $0x0  }
0x174: {  	v9 =	vsel vm3, $0x0, v9  }
0x175: {  	(xrf0) =	vadd.scan.msk.s32 $0xffff, v8;
	v9 =	vadd.s32 v8, v9  }
0x176: {  	[tilespmem:$0x12400] =	vst v9  }
0x177: {  	v10 =	vld.idx.msk [tilespmem:v4+s14+$0x0], $0xffff;
	_ =	sdelay $0x3  }
0x178: {  	v11, _, _ =	vpop (xrf0)  }
0x179: {  	(v2sf) =	vpush v11, $0xF;
	v10 =	vsel vm0, $0x0, v10  }
0x17a: {  	v9 =	vadd.s32 v9, v10  }
0x17b: {  	[tilespmem:$0x12400] =	vst v9  }
0x17c: {  	v10 =	vld.idx.msk [tilespmem:v5+s14+$0x0], $0xffff;
	_ =	sdelay $0x4  }
0x17d: {  	v10 =	vsel vm1, $0x0, v10  }
0x17e: {  	v9 =	vadd.s32 v9, v10  }
0x17f: {  	[tilespmem:$0x12400] =	vst v9  }
0x180: {  	v10 =	vld.idx.msk [tilespmem:v7+s14+$0x0], $0xffff;
	_ =	sdelay $0x2  }
0x181: {  	s26 =	simm.s32 $0x10;
	v8 =	vsub.s32 s23, v8  }
0x182: {  	s0 =	spop (v2sf);
	v9 =	vadd.s32 v9, v8;
	v8 =	vld [tilespmem:s26+$0x10400]  }
0x183: {  	s24 =	sadd.s32 $0x0, s0;
	v10 =	vsel vm2, $0x0, v10  }
0x184: {  	s25 =	simm.s32 $0x80;
	s23 =	smov.u32 s24;
	v9 =	vadd.s32 v10, v9  }
.LBB2_29:
0x185: {  	p0 =	sne.s32 s25, $0x3FC0  }
0x186: {  	[tilespmem:s22+$0x11400] =	vst v9;
	s0 =	smov.u32 s25;
	s25 =	sadd.s32 $0x40, s25;
	s22 =	smov.u32 s26  }
0x187: {  	[tilespmem:$0x12400] =	vst v8;
	(xrf0) =	vadd.scan.msk.s32 $0xffff, v8;
	v9 =	vmov v8  }
0x188: {  	v8 =	vld.idx.msk [tilespmem:v2+s14+$0x0], $0xffff;
	_ =	sdelay $0x4  }
0x189: {  	v10, _, _ =	vpop (xrf0)  }
0x18a: {  	v8 =	vsel vm3, $0x0, v8;
	(v2sf) =	vpush v10, $0xF  }
0x18b: {  	v8 =	vadd.s32 v9, v8  }
0x18c: {  	[tilespmem:$0x12400] =	vst v8  }
0x18d: {  	v10 =	vld.idx.msk [tilespmem:v4+s14+$0x0], $0xffff;
	_ =	sdelay $0x5  }
0x18e: {  	v10 =	vsel vm0, $0x0, v10  }
0x18f: {  	v8 =	vadd.s32 v8, v10  }
0x190: {  	[tilespmem:$0x12400] =	vst v8  }
0x191: {  	v10 =	vld.idx.msk [tilespmem:v5+s14+$0x0], $0xffff;
	_ =	sdelay $0x2  }
0x192: {  	s26 =	spop (v2sf)  }
0x193: {  	s24 =	sadd.s32 s24, s26;
	_ =	sdelay $0x1  }
0x194: {  	v10 =	vsel vm1, $0x0, v10  }
0x195: {  	v10 =	vadd.s32 v8, v10  }
0x196: {  	[tilespmem:$0x12400] =	vst v10  }
0x197: {  	v11 =	vld.idx.msk [tilespmem:v7+s14+$0x0], $0xffff;
	_ =	sdelay $0x2  }
.Ltmp14:
0x198: {  	s26 =	sshra.s32 s0, $0x2;
	(pc) =	sbr.rel @p0 .LBB2_29-.Ltmp14, $4  }
0x199: {  	v8 =	vld [tilespmem:s26+$0x10400]  }
0x19a: {  	v9 =	vsub.s32 s23, v9;
	s23 =	smov.u32 s24  }
0x19b: {  	v9 =	vadd.s32 v10, v9;
	v11 =	vsel vm2, $0x0, v11  }
0x19c: {  	v9 =	vadd.s32 v11, v9  }
0x19d: {  	_ =	sdelay $0x1  }
0x19e: {  	[tilespmem:s22+$0x11400] =	vst v9  }
0x19f: {  	[tilespmem:$0x12400] =	vst v8  }
0x1a0: {  	v9 =	vld.idx.msk [tilespmem:v2+s14+$0x0], $0xffff;
	_ =	sdelay $0x3  }
0x1a1: {  	vm3 =	veq.s32 v0, $0x0  }
0x1a2: {  	v9 =	vsel vm3, $0x0, v9  }
0x1a3: {  	v9 =	vadd.s32 v8, v9  }
0x1a4: {  	[tilespmem:$0x12400] =	vst v9  }
0x1a5: {  	v10 =	vld.idx.msk [tilespmem:v4+s14+$0x0], $0xffff;
	_ =	sdelay $0x4  }
0x1a6: {  	v10 =	vsel vm0, $0x0, v10  }
0x1a7: {  	v9 =	vadd.s32 v9, v10  }
0x1a8: {  	[tilespmem:$0x12400] =	vst v9  }
0x1a9: {  	v10 =	vld.idx.msk [tilespmem:v5+s14+$0x0], $0xffff;
	_ =	sdelay $0x4  }
0x1aa: {  	v10 =	vsel vm1, $0x0, v10  }
0x1ab: {  	v9 =	vadd.s32 v9, v10  }
0x1ac: {  	[tilespmem:$0x12400] =	vst v9  }
0x1ad: {  	v10 =	vld.idx.msk [tilespmem:v7+s14+$0x0], $0xffff;
	_ =	sdelay $0x1  }
0x1ae: {  	s0 =	simm.s32 $0x0  }
0x1af: {  	v12 =	vadd.s32 s0, v3  }
0x1b0: {  	v11 =	vsub.s32 s23, v8  }
0x1b1: {  	v9 =	vadd.s32 v9, v11;
	v10 =	vsel vm2, $0x0, v10  }
0x1b2: {  	(xrf0) =	vadd.scan.msk.s32 $0xffff, v8;
	v8 =	vadd.s32 v10, v9  }
0x1b3: {  	[tilespmem:s26+$0x11400] =	vst v8  }
0x1b4: {  	v13 =	vld.idx.msk [tilespmem:v12+s12+$0x0], $0xffff;
	_ =	sdelay $0x3  }
0x1b5: {  	v8, _, _ =	vpop (xrf0)  }
0x1b6: {  	(v2sf) =	vpush v8, $0xF;
	v8 =	vshrl.u32 v13, $0xC  }
0x1b7: {  	v8 =	vand.u32 $0xFF0, v8  }
0x1b8: {  	v9 =	vor.u32 v0, v8;
	_ =	sdelay $0x4  }
0x1b9: {  	v11 =	vld.idx.msk [tilespmem:v9+s16+$0x0], $0xffff;
	_ =	sdelay $0x3  }
0x1ba: {  	v8 =	vld.idx.msk [tilespmem:v12+s15+$0x0], $0xffff  }
0x1bb: {  	s30 =	simm.s32 $0x1  }
0x1bc: {  	v10 =	vadd.s32 s30, v3;
	_ =	sdelay $0x1  }
0x1bd: {  	s22 =	simm.s32 $0x2;
	s31 =	spop (v2sf);
	[tilespmem:v11+s17+$0x0] =	vst.idx.msk $0xffff, v13  }
.LBB2_31:
0x1be: {  	p0 =	sne.s32 s22, $0x14F;
	[tilespmem:v11+s18+$0x0] =	vst.idx.msk $0xffff, v8  }
0x1bf: {  	[tilespmem:v9+s16+$0x0] =	vst.idx.add.s32.msk $0xffff, v6  }
0x1c0: {  	v12 =	vld.idx.msk [tilespmem:v10+s12+$0x0], $0xffff  }
0x1c1: {  	v8 =	vld.idx.msk [tilespmem:v10+s15+$0x0], $0xffff;
	_ =	sdelay $0x4  }
0x1c2: {  	v9 =	vshrl.u32 v12, $0xC  }
0x1c3: {  	v9 =	vand.u32 $0xFF0, v9  }
0x1c4: {  	v9 =	vor.u32 v0, v9;
	_ =	sdelay $0x4  }
0x1c5: {  	v11 =	vld.idx.msk [tilespmem:v9+s16+$0x0], $0xffff;
	_ =	sdelay $0x3  }
.Ltmp15:
0x1c6: {  	(pc) =	sbr.rel @p0 .LBB2_31-.Ltmp15, $3  }
0x1c7: {  	_ = 	snop  }
0x1c8: {  	v10 =	vadd.s32 s22, v3;
	_ =	sdelay $0x1  }
0x1c9: {  	s22 =	sadd.s32 $0x1, s22;
	[tilespmem:v11+s17+$0x0] =	vst.idx.msk $0xffff, v12  }
0x1ca: {  	_ =	sdelay $0x3  }
0x1cb: {  	[tilespmem:v11+s18+$0x0] =	vst.idx.msk $0xffff, v8  }
0x1cc: {  	[tilespmem:v9+s16+$0x0] =	vst.idx.add.s32.msk $0xffff, v6  }
0x1cd: {  	v8 =	vld.idx.msk [tilespmem:v10+s12+$0x0], $0xffff;
	_ =	sdelay $0x4  }
0x1ce: {  	v62 =	vshrl.u32 v8, $0xC  }
0x1cf: {  	v9 =	vand.u32 $0xFF0, v62  }
0x1d0: {  	v9 =	vor.u32 v0, v9;
	_ =	sdelay $0x4  }
0x1d1: {  	v11 =	vld.idx.msk [tilespmem:v9+s16+$0x0], $0xffff;
	_ =	sdelay $0x3  }
0x1d2: {  	v63 =	vld.idx.msk [tilespmem:v10+s15+$0x0], $0xffff;
	_ =	sdelay $0x3  }
0x1d3: {  	[tilespmem:v11+s17+$0x0] =	vst.idx.msk $0xffff, v8  }
0x1d4: {  	[tilespmem:v11+s18+$0x0] =	vst.idx.msk $0xffff, v63  }
0x1d5: {  	s22 =	simm.s32 $0x40;
	s24 =	simm.s32 $0x0;
	[tilespmem:v9+s16+$0x0] =	vst.idx.add.s32.msk $0xffff, v6  }
.LBB2_33:
0x1d6: {  	p0 =	sne.s32 s22, $0x3FC0;
	[tilespmem:s24+$0x10400] =	vst v1;
	s0 =	smov.u32 s22;
	s22 =	sadd.s32 $0x40, s22  }
.Ltmp16:
0x1d7: {  	(pc) =	sbr.rel @p0 .LBB2_33-.Ltmp16, $2  }
0x1d8: {  	_ =	sdelay $0x2  }
0x1d9: {  	s24 =	sshra.s32 s0, $0x2  }
0x1da: {  	s23 =	simm.s32 $0x0  }
0x1db: {  	v8 =	vadd.s32 s23, v3;
	_ =	sdelay $0x3  }
0x1dc: {  	[tilespmem:s24+$0x10400] =	vst v1  }
0x1dd: {  	v8 =	vld.idx.msk [tilespmem:v8+s17+$0x0], $0xffff;
	_ =	sdelay $0x4  }
0x1de: {  	v8 =	vshrl.u32 v8, $0x14  }
0x1df: {  	v8 =	vand.u32 $0xFF0, v8  }
0x1e0: {  	s0 =	simm.s32 $0x1;
	v8 =	vor.u32 v0, v8  }
0x1e1: {  	s22 =	simm.s32 $0x2;
	v9 =	vadd.s32 s0, v3  }
.LBB2_35:
0x1e2: {  	p0 =	sne.s32 s22, $0x14F;
	_ =	sdelay $0x2  }
0x1e3: {  	[tilespmem:v8+s13+$0x0] =	vst.idx.add.s32.msk $0xffff, v6  }
0x1e4: {  	v8 =	vld.idx.msk [tilespmem:v9+s17+$0x0], $0xffff;
	_ =	sdelay $0x4  }
.Ltmp17:
0x1e5: {  	(pc) =	sbr.rel @p0 .LBB2_35-.Ltmp17, $4  }
0x1e6: {  	v8 =	vshrl.u32 v8, $0x14  }
0x1e7: {  	v8 =	vand.u32 $0xFF0, v8  }
0x1e8: {  	v8 =	vor.u32 v0, v8  }
0x1e9: {  	v9 =	vadd.s32 s22, v3;
	s22 =	sadd.s32 $0x1, s22  }
0x1ea: {  	_ =	sdelay $0x3  }
0x1eb: {  	[tilespmem:v8+s13+$0x0] =	vst.idx.add.s32.msk $0xffff, v6  }
0x1ec: {  	v8 =	vld.idx.msk [tilespmem:v9+s17+$0x0], $0xffff;
	_ =	sdelay $0x4  }
0x1ed: {  	v8 =	vshrl.u32 v8, $0x14  }
0x1ee: {  	v8 =	vand.u32 $0xFF0, v8  }
0x1ef: {  	v8 =	vor.u32 v0, v8;
	_ =	sdelay $0x4  }
0x1f0: {  	s22 =	simm.s32 $0x0;
	[tilespmem:v8+s13+$0x0] =	vst.idx.add.s32.msk $0xffff, v6  }
0x1f1: {  	v8 =	vld [tilespmem:s22+$0x10400];
	_ =	sdelay $0x4  }
0x1f2: {  	[tilespmem:$0x12400] =	vst v8  }
0x1f3: {  	v9 =	vld.idx.msk [tilespmem:v2+s14+$0x0], $0xffff;
	_ =	sdelay $0x3  }
0x1f4: {  	vm3 =	veq.s32 v0, $0x0  }
0x1f5: {  	v9 =	vsel vm3, $0x0, v9  }
0x1f6: {  	(xrf0) =	vadd.scan.msk.s32 $0xffff, v8;
	v9 =	vadd.s32 v8, v9  }
0x1f7: {  	[tilespmem:$0x12400] =	vst v9  }
0x1f8: {  	v10 =	vld.idx.msk [tilespmem:v4+s14+$0x0], $0xffff;
	_ =	sdelay $0x3  }
0x1f9: {  	v11, _, _ =	vpop (xrf0)  }
0x1fa: {  	(v2sf) =	vpush v11, $0xF;
	v10 =	vsel vm0, $0x0, v10  }
0x1fb: {  	v9 =	vadd.s32 v9, v10  }
0x1fc: {  	[tilespmem:$0x12400] =	vst v9  }
0x1fd: {  	v10 =	vld.idx.msk [tilespmem:v5+s14+$0x0], $0xffff;
	_ =	sdelay $0x4  }
0x1fe: {  	v10 =	vsel vm1, $0x0, v10  }
0x1ff: {  	v9 =	vadd.s32 v9, v10  }
0x200: {  	[tilespmem:$0x12400] =	vst v9  }
0x201: {  	v10 =	vld.idx.msk [tilespmem:v7+s14+$0x0], $0xffff;
	_ =	sdelay $0x2  }
0x202: {  	s26 =	simm.s32 $0x10;
	v8 =	vsub.s32 s23, v8  }
0x203: {  	s0 =	spop (v2sf);
	v9 =	vadd.s32 v9, v8;
	v8 =	vld [tilespmem:s26+$0x10400]  }
0x204: {  	s24 =	sadd.s32 $0x0, s0;
	v10 =	vsel vm2, $0x0, v10  }
0x205: {  	s25 =	simm.s32 $0x80;
	s23 =	smov.u32 s24;
	v9 =	vadd.s32 v10, v9  }
.LBB2_37:
0x206: {  	p0 =	sne.s32 s25, $0x3FC0  }
0x207: {  	[tilespmem:s22+$0x11400] =	vst v9;
	s0 =	smov.u32 s25;
	s25 =	sadd.s32 $0x40, s25;
	s22 =	smov.u32 s26  }
0x208: {  	[tilespmem:$0x12400] =	vst v8;
	(xrf0) =	vadd.scan.msk.s32 $0xffff, v8;
	v9 =	vmov v8  }
0x209: {  	v8 =	vld.idx.msk [tilespmem:v2+s14+$0x0], $0xffff;
	_ =	sdelay $0x4  }
0x20a: {  	v10, _, _ =	vpop (xrf0)  }
0x20b: {  	v8 =	vsel vm3, $0x0, v8;
	(v2sf) =	vpush v10, $0xF  }
0x20c: {  	v8 =	vadd.s32 v9, v8  }
0x20d: {  	[tilespmem:$0x12400] =	vst v8  }
0x20e: {  	v10 =	vld.idx.msk [tilespmem:v4+s14+$0x0], $0xffff;
	_ =	sdelay $0x5  }
0x20f: {  	v10 =	vsel vm0, $0x0, v10  }
0x210: {  	v8 =	vadd.s32 v8, v10  }
0x211: {  	[tilespmem:$0x12400] =	vst v8  }
0x212: {  	v10 =	vld.idx.msk [tilespmem:v5+s14+$0x0], $0xffff;
	_ =	sdelay $0x2  }
0x213: {  	s26 =	spop (v2sf)  }
0x214: {  	s24 =	sadd.s32 s24, s26;
	_ =	sdelay $0x1  }
0x215: {  	v10 =	vsel vm1, $0x0, v10  }
0x216: {  	v10 =	vadd.s32 v8, v10  }
0x217: {  	[tilespmem:$0x12400] =	vst v10  }
0x218: {  	v11 =	vld.idx.msk [tilespmem:v7+s14+$0x0], $0xffff;
	_ =	sdelay $0x2  }
.Ltmp18:
0x219: {  	s26 =	sshra.s32 s0, $0x2;
	(pc) =	sbr.rel @p0 .LBB2_37-.Ltmp18, $4  }
0x21a: {  	v8 =	vld [tilespmem:s26+$0x10400]  }
0x21b: {  	v9 =	vsub.s32 s23, v9;
	s23 =	smov.u32 s24  }
0x21c: {  	v9 =	vadd.s32 v10, v9;
	v11 =	vsel vm2, $0x0, v11  }
0x21d: {  	v9 =	vadd.s32 v11, v9  }
0x21e: {  	_ =	sdelay $0x1  }
0x21f: {  	[tilespmem:s22+$0x11400] =	vst v9  }
0x220: {  	[tilespmem:$0x12400] =	vst v8  }
0x221: {  	v9 =	vld.idx.msk [tilespmem:v2+s14+$0x0], $0xffff;
	_ =	sdelay $0x3  }
0x222: {  	vm3 =	veq.s32 v0, $0x0  }
0x223: {  	v9 =	vsel vm3, $0x0, v9  }
0x224: {  	v9 =	vadd.s32 v8, v9  }
0x225: {  	[tilespmem:$0x12400] =	vst v9  }
0x226: {  	v10 =	vld.idx.msk [tilespmem:v4+s14+$0x0], $0xffff;
	_ =	sdelay $0x4  }
0x227: {  	v10 =	vsel vm0, $0x0, v10  }
0x228: {  	v9 =	vadd.s32 v9, v10  }
0x229: {  	[tilespmem:$0x12400] =	vst v9  }
0x22a: {  	v10 =	vld.idx.msk [tilespmem:v5+s14+$0x0], $0xffff;
	_ =	sdelay $0x4  }
0x22b: {  	v10 =	vsel vm1, $0x0, v10  }
0x22c: {  	v9 =	vadd.s32 v9, v10  }
0x22d: {  	[tilespmem:$0x12400] =	vst v9  }
0x22e: {  	v10 =	vld.idx.msk [tilespmem:v7+s14+$0x0], $0xffff;
	_ =	sdelay $0x1  }
0x22f: {  	s24 =	simm.s32 $0x0  }
0x230: {  	v12 =	vadd.s32 s24, v3  }
0x231: {  	v11 =	vsub.s32 s23, v8  }
0x232: {  	v9 =	vadd.s32 v9, v11;
	v10 =	vsel vm2, $0x0, v10  }
0x233: {  	(xrf0) =	vadd.scan.msk.s32 $0xffff, v8;
	v8 =	vadd.s32 v10, v9  }
0x234: {  	[tilespmem:s26+$0x11400] =	vst v8  }
0x235: {  	v13 =	vld.idx.msk [tilespmem:v12+s17+$0x0], $0xffff;
	_ =	sdelay $0x3  }
0x236: {  	v8, _, _ =	vpop (xrf0)  }
0x237: {  	(v2sf) =	vpush v8, $0xF;
	v8 =	vshrl.u32 v13, $0x14  }
0x238: {  	v8 =	vand.u32 $0xFF0, v8  }
0x239: {  	v9 =	vor.u32 v0, v8;
	_ =	sdelay $0x4  }
0x23a: {  	v11 =	vld.idx.msk [tilespmem:v9+s16+$0x0], $0xffff;
	_ =	sdelay $0x3  }
0x23b: {  	v8 =	vld.idx.msk [tilespmem:v12+s18+$0x0], $0xffff  }
0x23c: {  	s0 =	simm.s32 $0x1  }
0x23d: {  	v10 =	vadd.s32 s0, v3  }
0x23e: {  	s22 =	simm.s32 $0xB000  }
0x23f: {  	s25 =	simm.s32 $0xC500;
	s23 =	simm.s32 $0x2;
	s31 =	spop (v2sf);
	[tilespmem:v11+s22+$0x0] =	vst.idx.msk $0xffff, v13  }
.LBB2_39:
0x240: {  	p0 =	sne.s32 s23, $0x14F;
	[tilespmem:v11+s25+$0x0] =	vst.idx.msk $0xffff, v8  }
0x241: {  	[tilespmem:v9+s16+$0x0] =	vst.idx.add.s32.msk $0xffff, v6  }
0x242: {  	v12 =	vld.idx.msk [tilespmem:v10+s17+$0x0], $0xffff  }
0x243: {  	v8 =	vld.idx.msk [tilespmem:v10+s18+$0x0], $0xffff;
	_ =	sdelay $0x4  }
0x244: {  	v9 =	vshrl.u32 v12, $0x14  }
0x245: {  	v9 =	vand.u32 $0xFF0, v9  }
0x246: {  	v9 =	vor.u32 v0, v9;
	_ =	sdelay $0x4  }
0x247: {  	v11 =	vld.idx.msk [tilespmem:v9+s16+$0x0], $0xffff;
	_ =	sdelay $0x3  }
.Ltmp19:
0x248: {  	(pc) =	sbr.rel @p0 .LBB2_39-.Ltmp19, $3  }
0x249: {  	_ = 	snop  }
0x24a: {  	v10 =	vadd.s32 s23, v3;
	_ =	sdelay $0x1  }
0x24b: {  	s23 =	sadd.s32 $0x1, s23;
	[tilespmem:v11+s22+$0x0] =	vst.idx.msk $0xffff, v12  }
0x24c: {  	_ =	sdelay $0x3  }
0x24d: {  	[tilespmem:v11+s25+$0x0] =	vst.idx.msk $0xffff, v8  }
0x24e: {  	[tilespmem:v9+s16+$0x0] =	vst.idx.add.s32.msk $0xffff, v6  }
0x24f: {  	v8 =	vld.idx.msk [tilespmem:v10+s17+$0x0], $0xffff;
	_ =	sdelay $0x4  }
0x250: {  	v9 =	vshrl.u32 v8, $0x14  }
0x251: {  	v9 =	vand.u32 $0xFF0, v9  }
0x252: {  	v9 =	vor.u32 v0, v9;
	_ =	sdelay $0x4  }
0x253: {  	v11 =	vld.idx.msk [tilespmem:v9+s16+$0x0], $0xffff;
	_ =	sdelay $0x3  }
0x254: {  	v10 =	vld.idx.msk [tilespmem:v10+s18+$0x0], $0xffff;
	_ =	sdelay $0x2  }
0x255: {  	s22 =	simm.s32 $0xB000  }
0x256: {  	s23 =	simm.s32 $0xC500;
	[tilespmem:v11+s22+$0x0] =	vst.idx.msk $0xffff, v8  }
0x257: {  	[tilespmem:v11+s23+$0x0] =	vst.idx.msk $0xffff, v10  }
0x258: {  	[tilespmem:v9+s16+$0x0] =	vst.idx.add.s32.msk $0xffff, v6  }
0x259: {  	v9 =	vld [tilespmem:s23+$0x0];
	_ =	sdelay $0x4  }
0x25a: {  	v8 =	vor.u32 s24, v0;
	v10 =	vadd.s32 $0xFFFFF000, v9  }
0x25b: {  	vm3 =	vlt.s32 v9, $0xFFF;
	v11 =	vadd.s32 $0xFFFFEC00, v9;
	vm4 =	vgt.s32 v10, $0x0  }
0x25c: {  	v12 =	vnsel vm3, $0xFFF, v9;
	vm3 =	vgt.s32 v11, $0x0;
	v10 =	vnsel vm4, $0x0, v10  }
0x25d: {  	v11 =	vnsel vm3, $0x0, v11;
	v13 =	vshll.u32 v12, $0x3;
	v10 =	vmin.u32 v10, $0x3FF  }
0x25e: {  	v12 =	vand.u32 $0x7F, v12;
	v11 =	vmin.u32 v11, $0xFF;
	v14 =	vshll.u32 v10, $0x3  }
0x25f: {  	v15 =	vld [tilespmem:s22+$0x0];
	v10 =	vand.u32 $0x7F, v10;
	v16 =	vshll.u32 v11, $0x4;
	v14 =	vand.u32 $0x1C00, v14  }
0x260: {  	v11 =	vand.u32 $0x3F, v11;
	v51 =	vand.u32 $0xC00, v16;
	v10 =	vor.u32 v10, v14  }
0x261: {  	v13 =	vand.u32 $0xFFFFFC00, v13;
	v11 =	vor.u32 v11, v51;
	v52 =	vor.u32 $0x80, v10  }
0x262: {  	v12 =	vor.u32 v12, v13;
	v53 =	vor.u32 $0x80, v11  }
0x263: {  	v54 =	vor.u32 $0x80, v12  }
0x264: {  	v15 =	vxor.u32 $0xFFFFFFFF, v15  }
0x265: {  	[tilespmem:v8+s19+$0x0] =	vst.idx.msk $0xffff, v15  }
0x266: {  	v15 =	vld.idx.msk [tilespmem:v52+s10+$0x0], $0xffff  }
0x267: {  	v13 =	vld.idx.msk [tilespmem:v53+s11+$0x0], $0xffff  }
0x268: {  	v14 =	vld.idx.msk [tilespmem:v54+s2+$0x0], $0xffff  }
0x269: {  	v8 =	vshll.u32 v8, $0x2  }
0x26a: {  	v55 =	vor.u32 $0x100, v10  }
0x26b: {  	vm3 =	vlt.s32 v9, $0x1400;
	v17 =	vor.u32 $0x100, v11  }
0x26c: {  	vm4 =	vlt.s32 v9, $0x1000;
	v56 =	vor.u32 $0x100, v12;
	v9 =	vsel vm3, v15, v13  }
0x26d: {  	v9 =	vsel vm4, v14, v9  }
0x26e: {  	[tilespmem:v8+s20+$0x0] =	vst.idx.msk $0xffff, v9  }
0x26f: {  	v9 =	vld.idx.msk [tilespmem:v55+s10+$0x0], $0xffff  }
0x270: {  	v57 =	vld.idx.msk [tilespmem:v17+s11+$0x0], $0xffff  }
0x271: {  	v13 =	vld.idx.msk [tilespmem:v56+s2+$0x0], $0xffff  }
0x272: {  	v58 =	vor.u32 $0x1, v8  }
0x273: {  	v59 =	vor.u32 $0x180, v10  }
0x274: {  	v60 =	vor.u32 $0x180, v11  }
0x275: {  	v61 =	vor.u32 $0x180, v12;
	v9 =	vsel vm3, v9, v57  }
0x276: {  	v9 =	vsel vm4, v13, v9  }
0x277: {  	[tilespmem:v58+s20+$0x0] =	vst.idx.msk $0xffff, v9  }
0x278: {  	v9 =	vld.idx.msk [tilespmem:v59+s10+$0x0], $0xffff  }
0x279: {  	v62 =	vld.idx.msk [tilespmem:v60+s11+$0x0], $0xffff  }
0x27a: {  	v14 =	vld.idx.msk [tilespmem:v61+s2+$0x0], $0xffff  }
0x27b: {  	v63 =	vor.u32 $0x2, v8  }
0x27c: {  	v10 =	vor.u32 $0x200, v10  }
0x27d: {  	v11 =	vor.u32 $0x200, v11  }
0x27e: {  	v12 =	vor.u32 $0x200, v12;
	v9 =	vsel vm3, v9, v62  }
0x27f: {  	v9 =	vsel vm4, v14, v9  }
0x280: {  	[tilespmem:v63+s20+$0x0] =	vst.idx.msk $0xffff, v9  }
0x281: {  	v9 =	vld.idx.msk [tilespmem:v10+s10+$0x0], $0xffff  }
0x282: {  	v10 =	vld.idx.msk [tilespmem:v11+s11+$0x0], $0xffff  }
0x283: {  	s24 =	simm.s32 $0x10;
	v11 =	vld.idx.msk [tilespmem:v12+s2+$0x0], $0xffff  }
.LBB2_41:
0x284: {  	p0 =	sne.s32 s24, $0x3E0;
	s22 =	sadd.s32 $0x10, s22;
	s23 =	sadd.s32 $0x10, s23  }
0x285: {  	v8 =	vor.u32 $0x3, v8;
	s0 =	smov.u32 s24;
	s24 =	sadd.s32 $0x10, s24;
	_ =	sdelay $0x2  }
0x286: {  	v9 =	vsel vm3, v9, v10  }
0x287: {  	v9 =	vsel vm4, v11, v9  }
0x288: {  	[tilespmem:v8+s20+$0x0] =	vst.idx.msk $0xffff, v9  }
0x289: {  	v9 =	vld [tilespmem:s23+$0x0];
	_ =	sdelay $0x3  }
0x28a: {  	v8 =	vor.u32 s0, v0  }
0x28b: {  	vm3 =	vlt.s32 v9, $0xFFF;
	v10 =	vadd.s32 $0xFFFFF000, v9;
	v11 =	vadd.s32 $0xFFFFEC00, v9  }
0x28c: {  	v12 =	vnsel vm3, $0xFFF, v9;
	vm3 =	vgt.s32 v10, $0x0;
	vm4 =	vgt.s32 v11, $0x0  }
0x28d: {  	v10 =	vnsel vm3, $0x0, v10;
	v11 =	vnsel vm4, $0x0, v11;
	v13 =	vshll.u32 v12, $0x3  }
0x28e: {  	v10 =	vmin.u32 v10, $0x3FF;
	v11 =	vmin.u32 v11, $0xFF;
	v13 =	vand.u32 $0xFFFFFC00, v13  }
0x28f: {  	v14 =	vand.u32 $0x7F, v10;
	v10 =	vshll.u32 v10, $0x3;
	v15 =	vand.u32 $0x3F, v11  }
0x290: {  	v12 =	vand.u32 $0x7F, v12;
	v11 =	vshll.u32 v11, $0x4;
	v16 =	vld [tilespmem:s22+$0x0];
	v10 =	vand.u32 $0x1C00, v10  }
0x291: {  	v12 =	vor.u32 v12, v13;
	v11 =	vand.u32 $0xC00, v11;
	v10 =	vor.u32 v14, v10  }
0x292: {  	v13 =	vor.u32 $0x80, v12;
	v11 =	vor.u32 v15, v11;
	v14 =	vor.u32 $0x80, v10  }
0x293: {  	v15 =	vor.u32 $0x80, v11;
	_ =	sdelay $0x1  }
0x294: {  	v16 =	vxor.u32 $0xFFFFFFFF, v16  }
0x295: {  	[tilespmem:v8+s19+$0x0] =	vst.idx.msk $0xffff, v16  }
0x296: {  	v14 =	vld.idx.msk [tilespmem:v14+s10+$0x0], $0xffff  }
0x297: {  	v15 =	vld.idx.msk [tilespmem:v15+s11+$0x0], $0xffff  }
0x298: {  	v13 =	vld.idx.msk [tilespmem:v13+s2+$0x0], $0xffff;
	_ =	sdelay $0x1  }
0x299: {  	v8 =	vshll.u32 v8, $0x2  }
0x29a: {  	v16 =	vor.u32 $0x100, v10  }
0x29b: {  	vm3 =	vlt.s32 v9, $0x1400;
	v17 =	vor.u32 $0x100, v11  }
0x29c: {  	vm4 =	vlt.s32 v9, $0x1000;
	v9 =	vsel vm3, v14, v15;
	v14 =	vor.u32 $0x100, v12  }
0x29d: {  	v9 =	vsel vm4, v13, v9  }
0x29e: {  	[tilespmem:v8+s20+$0x0] =	vst.idx.msk $0xffff, v9  }
0x29f: {  	v9 =	vld.idx.msk [tilespmem:v16+s10+$0x0], $0xffff  }
0x2a0: {  	v13 =	vld.idx.msk [tilespmem:v17+s11+$0x0], $0xffff  }
0x2a1: {  	v14 =	vld.idx.msk [tilespmem:v14+s2+$0x0], $0xffff;
	_ =	sdelay $0x1  }
0x2a2: {  	v15 =	vor.u32 $0x1, v8  }
0x2a3: {  	v16 =	vor.u32 $0x180, v10  }
0x2a4: {  	v17 =	vor.u32 $0x180, v11  }
0x2a5: {  	v9 =	vsel vm3, v9, v13;
	v13 =	vor.u32 $0x180, v12  }
0x2a6: {  	v9 =	vsel vm4, v14, v9  }
0x2a7: {  	[tilespmem:v15+s20+$0x0] =	vst.idx.msk $0xffff, v9  }
0x2a8: {  	v9 =	vld.idx.msk [tilespmem:v16+s10+$0x0], $0xffff  }
0x2a9: {  	v14 =	vld.idx.msk [tilespmem:v17+s11+$0x0], $0xffff  }
0x2aa: {  	v13 =	vld.idx.msk [tilespmem:v13+s2+$0x0], $0xffff;
	_ =	sdelay $0x1  }
0x2ab: {  	v15 =	vor.u32 $0x2, v8  }
0x2ac: {  	v10 =	vor.u32 $0x200, v10  }
0x2ad: {  	v11 =	vor.u32 $0x200, v11  }
0x2ae: {  	v12 =	vor.u32 $0x200, v12;
	v9 =	vsel vm3, v9, v14  }
.Ltmp20:
0x2af: {  	v9 =	vsel vm4, v13, v9;
	(pc) =	sbr.rel @p0 .LBB2_41-.Ltmp20, $4  }
0x2b0: {  	[tilespmem:v15+s20+$0x0] =	vst.idx.msk $0xffff, v9  }
0x2b1: {  	v9 =	vld.idx.msk [tilespmem:v10+s10+$0x0], $0xffff  }
0x2b2: {  	v10 =	vld.idx.msk [tilespmem:v11+s11+$0x0], $0xffff  }
0x2b3: {  	v11 =	vld.idx.msk [tilespmem:v12+s2+$0x0], $0xffff  }
0x2b4: {  	v8 =	vor.u32 $0x3, v8;
	_ =	sdelay $0x2  }
0x2b5: {  	v9 =	vsel vm3, v9, v10  }
0x2b6: {  	v9 =	vsel vm4, v11, v9  }
0x2b7: {  	[tilespmem:v8+s20+$0x0] =	vst.idx.msk $0xffff, v9  }
0x2b8: {  	[hbm4b:s5+s2] =	stream.linear.scatter [tilespmem:s20], [sflag:$0x1], $0x1000, $0x38;
	[tilespmem:$0x13880] =	vst v63  }
0x2b9: {  	s21 =	sadd.s32 $0x1, s21;
	_ =	swait.ge [sflag:s9], $0x1000  }
0x2ba: {  	p0 =	sne.s32 s21, s8;
	[sflag:s9] =	ssyncset.done $0x0  }
.Ltmp21:
0x2bb: {  	[sflag:s9] =	ssyncadd.s32 $0xFFFFF000;
	(pc) =	sbr.rel @p0 .LBB2_2-.Ltmp21, $4  }
0x2bc: {  	[hbm4b:s6+s2] =	stream.linear.scatter [tilespmem:s19], [sflag:$0x1], $0x400, $0x38;
	[tilespmem:$0x13880] =	vst v63  }
0x2bd: {  	_ =	swait.ge [sflag:s9], $0x400  }
0x2be: {  	[sflag:s9] =	ssyncset.done $0x0  }
0x2bf: {  	[sflag:s9] =	ssyncadd.s32 $0xFFFFFC00  }
.LBB2_43:
0x2c0: {  	_ =	sfence.sel $0x180000  }
0x2c1: {  	[bflag:$0x0] =	sbarrier.arrive $0xFFFF  }
0x2c2: {  	_ =	strace $0x90000047  }
0x2c3: {  	[bflag:$0x2] =	sbarrier.arrive $0xFFFF  }
0x2c4: {  	p0 =	sne.s32 s1, $0x0;
	s0 =	rddreg [dreg:$0x3]  }
0x2c5: {  	s0 =	sadd.s32 @!p0 $0x100000, s0  }
0x2c6: {  	[sflag:s0] =	ssyncadd.tile.s32 @!p0 $0x1;
	_ =	shalt  }
.Lfunc_end2:
_tile_overlayer_lowered:
.L_overlay_start_2:
0x2c7: {  	(tag) =	ssettag $0x2  }
0x2c8: {  	s0 =	rddreg [dreg:$0x0];
	s2 =	stileid.u32  }
0x2c9: {  	s1 =	rddreg [dreg:$0x1];
	p0 =	sne.s32 s2, $0x0  }
0x2ca: {  	s3 =	rddreg [dreg:$0x2];
	[bflag:$0x3] =	sbarrier.arrive $0xFFFF;
	s2 =	simm.s32 @!p0 $0x1C01  }
0x2cb: {  	[timem:s3], [sflag:s2] =	dma.local @!p0 [hbm:s0], s1  }
0x2cc: {  	s0 =	simm.s32 @!p0 $0x1  }
0x2cd: {  	_ =	swait.ge @!p0 [sflag:s0], s1  }
0x2ce: {  	s1 =	ssub.s32 @!p0 $0x0, s1;
	[sflag:s0] =	ssyncset.done @!p0 $0x0  }
0x2cf: {  	[sflag:s0] =	ssyncadd.s32 @!p0 s1  }
0x2d0: {  	[bflag:$0x3] =	sbarrier.arrive $0xFFFF  }
0x2d1: {  	_ =	shalt  }

</sc_bundles>
